<compile_context>
chip_gen: v7x
topology: tpu7x:2x2x1
jax: 0.10.2.dev20260603
libtpu: 0.0.44.dev20260713+nightly
codegen_flags: <defaults>
</compile_context>

<pallas_src>
import functools

import jax
import jax.numpy as jnp
from jax import lax
from jax.experimental import pallas as pl
from jax.experimental.pallas import tpu as pltpu
from jax.experimental.pallas import tpu_sc as plsc

DEPTH = 1000
D_CH = 200


def kernel(inputs):
    B1, B2 = inputs.shape
    NC, NS = 2, 16
    NW = NC * NS
    assert B1 % NW == 0 and DEPTH % D_CH == 0
    ipw = B1 // NW
    ND = DEPTH // D_CH
    n_chunks = B2 * ND

    mesh = plsc.VectorSubcoreMesh(core_axis_name="c", subcore_axis_name="s")

    @functools.partial(
        pl.kernel,
        mesh=mesh,
        compiler_params=pltpu.CompilerParams(
            use_tc_tiling_on_sc=True, needs_layout_passes=False
        ),
        out_type=jax.ShapeDtypeStruct((B2, DEPTH, B1), jnp.float32),
        scratch_types=[
            pltpu.VMEM((B2, ipw), jnp.int32),
            pltpu.VMEM((D_CH, ipw), jnp.float32),
            pltpu.VMEM((D_CH, ipw), jnp.float32),
            pltpu.SemaphoreType.DMA,
            pltpu.SemaphoreType.DMA,
        ],
    )
    def onehot_sc(idx_hbm, out_hbm, idx_v, buf_a, buf_b, sem_a, sem_b):
        c = lax.axis_index("c")
        s = lax.axis_index("s")
        wid = s * NC + c
        i0 = wid * ipw

        pltpu.sync_copy(idx_hbm.at[:, pl.ds(i0, ipw)], idx_v)

        lanes = lax.iota(jnp.int32, 16)
        zeros_v = jnp.zeros((16,), jnp.float32)
        ones_v = jnp.ones((16,), jnp.float32)

        def scatter_chunk(buf, t, val_vec):
            j = t // ND
            d0 = (t % ND) * D_CH
            for g in range(ipw // 16):
                kv = idx_v[j, pl.ds(g * 16, 16)]
                m = (kv >= d0) & (kv < d0 + D_CH)
                row = jnp.clip(kv - d0, 0, D_CH - 1)
                plsc.store_scatter(buf, [row, lanes + g * 16], val_vec, mask=m)

        def start_dma(buf, t, sem):
            j = t // ND
            d0 = pl.multiple_of((t % ND) * D_CH, 8)
            pltpu.async_copy(
                buf, out_hbm.at[j, pl.ds(d0, D_CH), pl.ds(i0, ipw)], sem
            )

        def wait_dma(buf, sem):
            pltpu.make_async_copy(
                buf, out_hbm.at[0, pl.ds(0, D_CH), pl.ds(i0, ipw)], sem
            ).wait()

        def zrow(d, _):
            for g in range(ipw // 16):
                buf_a[d, pl.ds(g * 16, 16)] = zeros_v
                buf_b[d, pl.ds(g * 16, 16)] = zeros_v
            return 0

        lax.fori_loop(0, D_CH, zrow, 0)

        scatter_chunk(buf_a, 0, ones_v)
        start_dma(buf_a, 0, sem_a)
        scatter_chunk(buf_b, 1, ones_v)
        start_dma(buf_b, 1, sem_b)

        def body(rr, _):
            for off, buf, sem in ((2, buf_a, sem_a), (3, buf_b, sem_b)):
                t = 2 * rr + off
                wait_dma(buf, sem)
                scatter_chunk(buf, t - 2, zeros_v)
                scatter_chunk(buf, t, ones_v)
                start_dma(buf, t, sem)
            return 0

        lax.fori_loop(0, (n_chunks - 2) // 2, body, 0)

        wait_dma(buf_a, sem_a)
        wait_dma(buf_b, sem_b)

    out_t = onehot_sc(inputs.T)
    return jnp.transpose(out_t, (2, 0, 1))

# --- scband reference (transcript-rebuilt; emitter-appended) ---
"""Pipeline reference for scband-one-hot-76141180224143 (READ-ONLY COPY).

The authoritative reference and input builder live on the scoring server;
editing this copy changes nothing except your own understanding.
"""

import jax, jax.numpy as jnp
import numpy as np

DEPTH = 1000

def setup_inputs(seed: int = 0) -> dict:
    key = jax.random.key(seed)
    inputs = jax.random.randint(key, (4096, 50), 0, DEPTH, dtype=jnp.int64 if jax.config.jax_enable_x64 else jnp.int32).astype(jnp.int32)
    return {"inputs": inputs}

def reference(inputs) -> jnp.ndarray:
    # Faithful translation of tf.one_hot(inputs, depth, dtype=tf.float32)
    return jax.nn.one_hot(inputs, DEPTH, dtype=jnp.float32)

if __name__ == "__main__":
    import jax
    _d = setup_inputs()
    print(jax.jit(kernel)(*tuple(_d.values())))

</pallas_src>

<mosaic_0001>
#map = affine_map<(d0, d1) -> (0, 0)>
#map1 = affine_map<(d0, d1) -> (0, 0, 0)>
module attributes {stable_mosaic.version = 14 : i64} {
  func.func @onehot_sc(%arg0: i32, %arg1: i32, %arg2: memref<50x4096xi32, #tpu.memory_space<hbm>>, %arg3: memref<50x1000x4096xf32, #tpu.memory_space<hbm>>, %arg4: memref<50x128xi32, #tpu.memory_space<vmem>>, %arg5: memref<200x128xf32, #tpu.memory_space<vmem>>, %arg6: memref<200x128xf32, #tpu.memory_space<vmem>>, %arg7: memref<!tpu.dma_semaphore, #tpu.memory_space<semaphore_mem>>, %arg8: memref<!tpu.dma_semaphore, #tpu.memory_space<semaphore_mem>>) attributes {dimension_semantics = [#tpu.dimension_semantics<core_parallel>, #tpu.dimension_semantics<subcore_parallel>], iteration_bounds = array<i64: 2, 16>, scalar_prefetch = 0 : i64, scratch_operands = 5 : i64, tpu.core_type = #tpu.core_type<sc_vector_subcore>, window_params = [{transform_indices = #map}, {transform_indices = #map1}]} {
    %mul3A = arith.constant 2 : i32
    %mul3A_0 = arith.muli %arg1, %mul3A : i32
    %add3A = arith.addi %mul3A_0, %arg0 : i32
    %mul3A_1 = arith.constant 128 : i32
    %mul3A_2 = arith.muli %add3A, %mul3A_1 : i32
    "tpu.region"() ({
      %run_scoped3A = tpu.sem_alloc : memref<!tpu.dma_semaphore, #tpu.memory_space<semaphore_mem>>
      %dma_start3A_404 = arith.constant 0 : i32
      %dma_start3A_405 = tpu.memref_slice %arg2[%dma_start3A_404, %mul3A_2] : memref<50x4096xi32, #tpu.memory_space<hbm>> -> memref<50x128xi32, #tpu.memory_space<hbm>>
      %dma_start3A_406 = arith.constant 0 : i32
      %dma_start3A_407 = tpu.memref_slice %arg2[%dma_start3A_406, %mul3A_2] : memref<50x4096xi32, #tpu.memory_space<hbm>> -> memref<50x128xi32, #tpu.memory_space<hbm>>
      tpu.enqueue_dma source(%dma_start3A_407 : memref<50x128xi32, #tpu.memory_space<hbm>>) target(%arg4 : memref<50x128xi32, #tpu.memory_space<vmem>>) target_semaphore(%run_scoped3A : memref<!tpu.dma_semaphore, #tpu.memory_space<semaphore_mem>>)
      %dma_wait3A_408 = arith.constant 0 : i32
      %dma_wait3A_409 = tpu.memref_slice %arg2[%dma_wait3A_408, %mul3A_2] : memref<50x4096xi32, #tpu.memory_space<hbm>> -> memref<50x128xi32, #tpu.memory_space<hbm>>
      %dma_wait3A_410 = arith.constant 0 : i32
      %dma_wait3A_411 = tpu.memref_slice %arg2[%dma_wait3A_410, %mul3A_2] : memref<50x4096xi32, #tpu.memory_space<hbm>> -> memref<50x128xi32, #tpu.memory_space<hbm>>
      tpu.wait_dma2 semaphore(%run_scoped3A : memref<!tpu.dma_semaphore, #tpu.memory_space<semaphore_mem>>) src(%dma_wait3A_411 : memref<50x128xi32, #tpu.memory_space<hbm>>) dst(%arg4 : memref<50x128xi32, #tpu.memory_space<vmem>>)
      tpu.yield
    }) : () -> ()
    %iota3A = tpu.iota {dimensions = array<i32: 0>} : vector<16xi32>
    %broadcast_in_dim3A = arith.constant 0.000000e+00 : f32
    %broadcast_in_dim3A_3 = vector.broadcast %broadcast_in_dim3A : f32 to vector<16xf32>
    %broadcast_in_dim3A_4 = arith.constant 1.000000e+00 : f32
    %broadcast_in_dim3A_5 = vector.broadcast %broadcast_in_dim3A_4 : f32 to vector<16xf32>
    %scan3A = arith.constant 0 : i32
    %scan3A_6 = arith.constant 0 : i32
    %scan3A_7 = arith.constant 200 : i32
    %scan3A_8 = arith.addi %scan3A_6, %scan3A_7 : i32
    %scan3A_9 = arith.constant 1 : i32
    %scan3A_10 = scf.for %scan3A_404 = %scan3A_6 to %scan3A_8 step %scan3A_9 iter_args(%scan3A_405 = %scan3A) -> (i32)  : i32 {
      %swap3A = arith.index_cast %scan3A_404 : i32 to index
      %swap3A_406 = arith.constant 0 : index
      %swap3A_407 = tpu.vector_load %arg5[%swap3A, %swap3A_406] {strides = array<i32>} : memref<200x128xf32, #tpu.memory_space<vmem>>, vector<16xf32>,
      tpu.vector_store %arg5[%swap3A, %swap3A_406], %broadcast_in_dim3A_3 {strides = array<i32>} : memref<200x128xf32, #tpu.memory_space<vmem>>, vector<16xf32>,
      %swap3A_408 = arith.index_cast %scan3A_404 : i32 to index
      %swap3A_409 = arith.constant 0 : index
      %swap3A_410 = tpu.vector_load %arg6[%swap3A_408, %swap3A_409] {strides = array<i32>} : memref<200x128xf32, #tpu.memory_space<vmem>>, vector<16xf32>,
      tpu.vector_store %arg6[%swap3A_408, %swap3A_409], %broadcast_in_dim3A_3 {strides = array<i32>} : memref<200x128xf32, #tpu.memory_space<vmem>>, vector<16xf32>,
      %swap3A_411 = arith.index_cast %scan3A_404 : i32 to index
      %swap3A_412 = arith.constant 16 : index
      %swap3A_413 = tpu.vector_load %arg5[%swap3A_411, %swap3A_412] {strides = array<i32>} : memref<200x128xf32, #tpu.memory_space<vmem>>, vector<16xf32>,
      tpu.vector_store %arg5[%swap3A_411, %swap3A_412], %broadcast_in_dim3A_3 {strides = array<i32>} : memref<200x128xf32, #tpu.memory_space<vmem>>, vector<16xf32>,
      %swap3A_414 = arith.index_cast %scan3A_404 : i32 to index
      %swap3A_415 = arith.constant 16 : index
      %swap3A_416 = tpu.vector_load %arg6[%swap3A_414, %swap3A_415] {strides = array<i32>} : memref<200x128xf32, #tpu.memory_space<vmem>>, vector<16xf32>,
      tpu.vector_store %arg6[%swap3A_414, %swap3A_415], %broadcast_in_dim3A_3 {strides = array<i32>} : memref<200x128xf32, #tpu.memory_space<vmem>>, vector<16xf32>,
      %swap3A_417 = arith.index_cast %scan3A_404 : i32 to index
      %swap3A_418 = arith.constant 32 : index
      %swap3A_419 = tpu.vector_load %arg5[%swap3A_417, %swap3A_418] {strides = array<i32>} : memref<200x128xf32, #tpu.memory_space<vmem>>, vector<16xf32>,
      tpu.vector_store %arg5[%swap3A_417, %swap3A_418], %broadcast_in_dim3A_3 {strides = array<i32>} : memref<200x128xf32, #tpu.memory_space<vmem>>, vector<16xf32>,
      %swap3A_420 = arith.index_cast %scan3A_404 : i32 to index
      %swap3A_421 = arith.constant 32 : index
      %swap3A_422 = tpu.vector_load %arg6[%swap3A_420, %swap3A_421] {strides = array<i32>} : memref<200x128xf32, #tpu.memory_space<vmem>>, vector<16xf32>,
      tpu.vector_store %arg6[%swap3A_420, %swap3A_421], %broadcast_in_dim3A_3 {strides = array<i32>} : memref<200x128xf32, #tpu.memory_space<vmem>>, vector<16xf32>,
      %swap3A_423 = arith.index_cast %scan3A_404 : i32 to index
      %swap3A_424 = arith.constant 48 : index
      %swap3A_425 = tpu.vector_load %arg5[%swap3A_423, %swap3A_424] {strides = array<i32>} : memref<200x128xf32, #tpu.memory_space<vmem>>, vector<16xf32>,
      tpu.vector_store %arg5[%swap3A_423, %swap3A_424], %broadcast_in_dim3A_3 {strides = array<i32>} : memref<200x128xf32, #tpu.memory_space<vmem>>, vector<16xf32>,
      %swap3A_426 = arith.index_cast %scan3A_404 : i32 to index
      %swap3A_427 = arith.constant 48 : index
      %swap3A_428 = tpu.vector_load %arg6[%swap3A_426, %swap3A_427] {strides = array<i32>} : memref<200x128xf32, #tpu.memory_space<vmem>>, vector<16xf32>,
      tpu.vector_store %arg6[%swap3A_426, %swap3A_427], %broadcast_in_dim3A_3 {strides = array<i32>} : memref<200x128xf32, #tpu.memory_space<vmem>>, vector<16xf32>,
      %swap3A_429 = arith.index_cast %scan3A_404 : i32 to index
      %swap3A_430 = arith.constant 64 : index
      %swap3A_431 = tpu.vector_load %arg5[%swap3A_429, %swap3A_430] {strides = array<i32>} : memref<200x128xf32, #tpu.memory_space<vmem>>, vector<16xf32>,
      tpu.vector_store %arg5[%swap3A_429, %swap3A_430], %broadcast_in_dim3A_3 {strides = array<i32>} : memref<200x128xf32, #tpu.memory_space<vmem>>, vector<16xf32>,
      %swap3A_432 = arith.index_cast %scan3A_404 : i32 to index
      %swap3A_433 = arith.constant 64 : index
      %swap3A_434 = tpu.vector_load %arg6[%swap3A_432, %swap3A_433] {strides = array<i32>} : memref<200x128xf32, #tpu.memory_space<vmem>>, vector<16xf32>,
      tpu.vector_store %arg6[%swap3A_432, %swap3A_433], %broadcast_in_dim3A_3 {strides = array<i32>} : memref<200x128xf32, #tpu.memory_space<vmem>>, vector<16xf32>,
      %swap3A_435 = arith.index_cast %scan3A_404 : i32 to index
      %swap3A_436 = arith.constant 80 : index
      %swap3A_437 = tpu.vector_load %arg5[%swap3A_435, %swap3A_436] {strides = array<i32>} : memref<200x128xf32, #tpu.memory_space<vmem>>, vector<16xf32>,
      tpu.vector_store %arg5[%swap3A_435, %swap3A_436], %broadcast_in_dim3A_3 {strides = array<i32>} : memref<200x128xf32, #tpu.memory_space<vmem>>, vector<16xf32>,
      %swap3A_438 = arith.index_cast %scan3A_404 : i32 to index
      %swap3A_439 = arith.constant 80 : index
      %swap3A_440 = tpu.vector_load %arg6[%swap3A_438, %swap3A_439] {strides = array<i32>} : memref<200x128xf32, #tpu.memory_space<vmem>>, vector<16xf32>,
      tpu.vector_store %arg6[%swap3A_438, %swap3A_439], %broadcast_in_dim3A_3 {strides = array<i32>} : memref<200x128xf32, #tpu.memory_space<vmem>>, vector<16xf32>,
      %swap3A_441 = arith.index_cast %scan3A_404 : i32 to index
      %swap3A_442 = arith.constant 96 : index
      %swap3A_443 = tpu.vector_load %arg5[%swap3A_441, %swap3A_442] {strides = array<i32>} : memref<200x128xf32, #tpu.memory_space<vmem>>, vector<16xf32>,
      tpu.vector_store %arg5[%swap3A_441, %swap3A_442], %broadcast_in_dim3A_3 {strides = array<i32>} : memref<200x128xf32, #tpu.memory_space<vmem>>, vector<16xf32>,
      %swap3A_444 = arith.index_cast %scan3A_404 : i32 to index
      %swap3A_445 = arith.constant 96 : index
      %swap3A_446 = tpu.vector_load %arg6[%swap3A_444, %swap3A_445] {strides = array<i32>} : memref<200x128xf32, #tpu.memory_space<vmem>>, vector<16xf32>,
      tpu.vector_store %arg6[%swap3A_444, %swap3A_445], %broadcast_in_dim3A_3 {strides = array<i32>} : memref<200x128xf32, #tpu.memory_space<vmem>>, vector<16xf32>,
      %swap3A_447 = arith.index_cast %scan3A_404 : i32 to index
      %swap3A_448 = arith.constant 112 : index
      %swap3A_449 = tpu.vector_load %arg5[%swap3A_447, %swap3A_448] {strides = array<i32>} : memref<200x128xf32, #tpu.memory_space<vmem>>, vector<16xf32>,
      tpu.vector_store %arg5[%swap3A_447, %swap3A_448], %broadcast_in_dim3A_3 {strides = array<i32>} : memref<200x128xf32, #tpu.memory_space<vmem>>, vector<16xf32>,
      %swap3A_450 = arith.index_cast %scan3A_404 : i32 to index
      %swap3A_451 = arith.constant 112 : index
      %swap3A_452 = tpu.vector_load %arg6[%swap3A_450, %swap3A_451] {strides = array<i32>} : memref<200x128xf32, #tpu.memory_space<vmem>>, vector<16xf32>,
      tpu.vector_store %arg6[%swap3A_450, %swap3A_451], %broadcast_in_dim3A_3 {strides = array<i32>} : memref<200x128xf32, #tpu.memory_space<vmem>>, vector<16xf32>,
      %scan3A_453 = arith.constant 0 : i32
      scf.yield %scan3A_453 : i32
    }
    %scan3A_11 = arith.constant 200 : i32
    %get3A = arith.constant 0 : i32
    %get3A_12 = arith.index_cast %get3A : i32 to index
    %get3A_13 = arith.constant 0 : index
    %get3A_14 = tpu.vector_load %arg4[%get3A_12, %get3A_13] {strides = array<i32>} : memref<50x128xi32, #tpu.memory_space<vmem>>, vector<16xi32>,
    %ge3A = arith.constant 0 : i32
    %ge3A_15 = vector.broadcast %ge3A : i32 to vector<16xi32>
    %ge3A_16 = arith.cmpi sge, %get3A_14, %ge3A_15 : vector<16xi32>
    %lt3A = arith.constant 200 : i32
    %lt3A_17 = vector.broadcast %lt3A : i32 to vector<16xi32>
    %lt3A_18 = arith.cmpi slt, %get3A_14, %lt3A_17 : vector<16xi32>
    %and3A = arith.andi %ge3A_16, %lt3A_18 : vector<16xi1>
    %sub3A = arith.constant 0 : i32
    %sub3A_19 = vector.broadcast %sub3A : i32 to vector<16xi32>
    %sub3A_20 = arith.subi %get3A_14, %sub3A_19 : vector<16xi32>
    %jit3A = arith.constant 0 : i32
    %jit3A_21 = arith.constant 199 : i32
    %max3A = vector.broadcast %jit3A : i32 to vector<16xi32>
    %max3A_22 = arith.maxsi %max3A, %sub3A_20 : vector<16xi32>
    %min3A = vector.broadcast %jit3A_21 : i32 to vector<16xi32>
    %min3A_23 = arith.minsi %min3A, %max3A_22 : vector<16xi32>
    %add3A_24 = arith.constant 0 : i32
    %add3A_25 = vector.broadcast %add3A_24 : i32 to vector<16xi32>
    %add3A_26 = arith.addi %iota3A, %add3A_25 : vector<16xi32>
    tpu.vector_store_idx %arg5[%min3A_23, %add3A_26], %broadcast_in_dim3A_5 masked %and3A : memref<200x128xf32, #tpu.memory_space<vmem>>[vector<16xi32>, vector<16xi32>], vector<16xf32>, vector<16xi1>
    %get3A_27 = arith.constant 0 : i32
    %get3A_28 = arith.index_cast %get3A_27 : i32 to index
    %get3A_29 = arith.constant 16 : index
    %get3A_30 = tpu.vector_load %arg4[%get3A_28, %get3A_29] {strides = array<i32>} : memref<50x128xi32, #tpu.memory_space<vmem>>, vector<16xi32>,
    %ge3A_31 = arith.constant 0 : i32
    %ge3A_32 = vector.broadcast %ge3A_31 : i32 to vector<16xi32>
    %ge3A_33 = arith.cmpi sge, %get3A_30, %ge3A_32 : vector<16xi32>
    %lt3A_34 = arith.constant 200 : i32
    %lt3A_35 = vector.broadcast %lt3A_34 : i32 to vector<16xi32>
    %lt3A_36 = arith.cmpi slt, %get3A_30, %lt3A_35 : vector<16xi32>
    %and3A_37 = arith.andi %ge3A_33, %lt3A_36 : vector<16xi1>
    %sub3A_38 = arith.constant 0 : i32
    %sub3A_39 = vector.broadcast %sub3A_38 : i32 to vector<16xi32>
    %sub3A_40 = arith.subi %get3A_30, %sub3A_39 : vector<16xi32>
    %jit3A_41 = arith.constant 0 : i32
    %jit3A_42 = arith.constant 199 : i32
    %max3A_43 = vector.broadcast %jit3A_41 : i32 to vector<16xi32>
    %max3A_44 = arith.maxsi %max3A_43, %sub3A_40 : vector<16xi32>
    %min3A_45 = vector.broadcast %jit3A_42 : i32 to vector<16xi32>
    %min3A_46 = arith.minsi %min3A_45, %max3A_44 : vector<16xi32>
    %add3A_47 = arith.constant 16 : i32
    %add3A_48 = vector.broadcast %add3A_47 : i32 to vector<16xi32>
    %add3A_49 = arith.addi %iota3A, %add3A_48 : vector<16xi32>
    tpu.vector_store_idx %arg5[%min3A_46, %add3A_49], %broadcast_in_dim3A_5 masked %and3A_37 : memref<200x128xf32, #tpu.memory_space<vmem>>[vector<16xi32>, vector<16xi32>], vector<16xf32>, vector<16xi1>
    %get3A_50 = arith.constant 0 : i32
    %get3A_51 = arith.index_cast %get3A_50 : i32 to index
    %get3A_52 = arith.constant 32 : index
    %get3A_53 = tpu.vector_load %arg4[%get3A_51, %get3A_52] {strides = array<i32>} : memref<50x128xi32, #tpu.memory_space<vmem>>, vector<16xi32>,
    %ge3A_54 = arith.constant 0 : i32
    %ge3A_55 = vector.broadcast %ge3A_54 : i32 to vector<16xi32>
    %ge3A_56 = arith.cmpi sge, %get3A_53, %ge3A_55 : vector<16xi32>
    %lt3A_57 = arith.constant 200 : i32
    %lt3A_58 = vector.broadcast %lt3A_57 : i32 to vector<16xi32>
    %lt3A_59 = arith.cmpi slt, %get3A_53, %lt3A_58 : vector<16xi32>
    %and3A_60 = arith.andi %ge3A_56, %lt3A_59 : vector<16xi1>
    %sub3A_61 = arith.constant 0 : i32
    %sub3A_62 = vector.broadcast %sub3A_61 : i32 to vector<16xi32>
    %sub3A_63 = arith.subi %get3A_53, %sub3A_62 : vector<16xi32>
    %jit3A_64 = arith.constant 0 : i32
    %jit3A_65 = arith.constant 199 : i32
    %max3A_66 = vector.broadcast %jit3A_64 : i32 to vector<16xi32>
    %max3A_67 = arith.maxsi %max3A_66, %sub3A_63 : vector<16xi32>
    %min3A_68 = vector.broadcast %jit3A_65 : i32 to vector<16xi32>
    %min3A_69 = arith.minsi %min3A_68, %max3A_67 : vector<16xi32>
    %add3A_70 = arith.constant 32 : i32
    %add3A_71 = vector.broadcast %add3A_70 : i32 to vector<16xi32>
    %add3A_72 = arith.addi %iota3A, %add3A_71 : vector<16xi32>
    tpu.vector_store_idx %arg5[%min3A_69, %add3A_72], %broadcast_in_dim3A_5 masked %and3A_60 : memref<200x128xf32, #tpu.memory_space<vmem>>[vector<16xi32>, vector<16xi32>], vector<16xf32>, vector<16xi1>
    %get3A_73 = arith.constant 0 : i32
    %get3A_74 = arith.index_cast %get3A_73 : i32 to index
    %get3A_75 = arith.constant 48 : index
    %get3A_76 = tpu.vector_load %arg4[%get3A_74, %get3A_75] {strides = array<i32>} : memref<50x128xi32, #tpu.memory_space<vmem>>, vector<16xi32>,
    %ge3A_77 = arith.constant 0 : i32
    %ge3A_78 = vector.broadcast %ge3A_77 : i32 to vector<16xi32>
    %ge3A_79 = arith.cmpi sge, %get3A_76, %ge3A_78 : vector<16xi32>
    %lt3A_80 = arith.constant 200 : i32
    %lt3A_81 = vector.broadcast %lt3A_80 : i32 to vector<16xi32>
    %lt3A_82 = arith.cmpi slt, %get3A_76, %lt3A_81 : vector<16xi32>
    %and3A_83 = arith.andi %ge3A_79, %lt3A_82 : vector<16xi1>
    %sub3A_84 = arith.constant 0 : i32
    %sub3A_85 = vector.broadcast %sub3A_84 : i32 to vector<16xi32>
    %sub3A_86 = arith.subi %get3A_76, %sub3A_85 : vector<16xi32>
    %jit3A_87 = arith.constant 0 : i32
    %jit3A_88 = arith.constant 199 : i32
    %max3A_89 = vector.broadcast %jit3A_87 : i32 to vector<16xi32>
    %max3A_90 = arith.maxsi %max3A_89, %sub3A_86 : vector<16xi32>
    %min3A_91 = vector.broadcast %jit3A_88 : i32 to vector<16xi32>
    %min3A_92 = arith.minsi %min3A_91, %max3A_90 : vector<16xi32>
    %add3A_93 = arith.constant 48 : i32
    %add3A_94 = vector.broadcast %add3A_93 : i32 to vector<16xi32>
    %add3A_95 = arith.addi %iota3A, %add3A_94 : vector<16xi32>
    tpu.vector_store_idx %arg5[%min3A_92, %add3A_95], %broadcast_in_dim3A_5 masked %and3A_83 : memref<200x128xf32, #tpu.memory_space<vmem>>[vector<16xi32>, vector<16xi32>], vector<16xf32>, vector<16xi1>
    %get3A_96 = arith.constant 0 : i32
    %get3A_97 = arith.index_cast %get3A_96 : i32 to index
    %get3A_98 = arith.constant 64 : index
    %get3A_99 = tpu.vector_load %arg4[%get3A_97, %get3A_98] {strides = array<i32>} : memref<50x128xi32, #tpu.memory_space<vmem>>, vector<16xi32>,
    %ge3A_100 = arith.constant 0 : i32
    %ge3A_101 = vector.broadcast %ge3A_100 : i32 to vector<16xi32>
    %ge3A_102 = arith.cmpi sge, %get3A_99, %ge3A_101 : vector<16xi32>
    %lt3A_103 = arith.constant 200 : i32
    %lt3A_104 = vector.broadcast %lt3A_103 : i32 to vector<16xi32>
    %lt3A_105 = arith.cmpi slt, %get3A_99, %lt3A_104 : vector<16xi32>
    %and3A_106 = arith.andi %ge3A_102, %lt3A_105 : vector<16xi1>
    %sub3A_107 = arith.constant 0 : i32
    %sub3A_108 = vector.broadcast %sub3A_107 : i32 to vector<16xi32>
    %sub3A_109 = arith.subi %get3A_99, %sub3A_108 : vector<16xi32>
    %jit3A_110 = arith.constant 0 : i32
    %jit3A_111 = arith.constant 199 : i32
    %max3A_112 = vector.broadcast %jit3A_110 : i32 to vector<16xi32>
    %max3A_113 = arith.maxsi %max3A_112, %sub3A_109 : vector<16xi32>
    %min3A_114 = vector.broadcast %jit3A_111 : i32 to vector<16xi32>
    %min3A_115 = arith.minsi %min3A_114, %max3A_113 : vector<16xi32>
    %add3A_116 = arith.constant 64 : i32
    %add3A_117 = vector.broadcast %add3A_116 : i32 to vector<16xi32>
    %add3A_118 = arith.addi %iota3A, %add3A_117 : vector<16xi32>
    tpu.vector_store_idx %arg5[%min3A_115, %add3A_118], %broadcast_in_dim3A_5 masked %and3A_106 : memref<200x128xf32, #tpu.memory_space<vmem>>[vector<16xi32>, vector<16xi32>], vector<16xf32>, vector<16xi1>
    %get3A_119 = arith.constant 0 : i32
    %get3A_120 = arith.index_cast %get3A_119 : i32 to index
    %get3A_121 = arith.constant 80 : index
    %get3A_122 = tpu.vector_load %arg4[%get3A_120, %get3A_121] {strides = array<i32>} : memref<50x128xi32, #tpu.memory_space<vmem>>, vector<16xi32>,
    %ge3A_123 = arith.constant 0 : i32
    %ge3A_124 = vector.broadcast %ge3A_123 : i32 to vector<16xi32>
    %ge3A_125 = arith.cmpi sge, %get3A_122, %ge3A_124 : vector<16xi32>
    %lt3A_126 = arith.constant 200 : i32
    %lt3A_127 = vector.broadcast %lt3A_126 : i32 to vector<16xi32>
    %lt3A_128 = arith.cmpi slt, %get3A_122, %lt3A_127 : vector<16xi32>
    %and3A_129 = arith.andi %ge3A_125, %lt3A_128 : vector<16xi1>
    %sub3A_130 = arith.constant 0 : i32
    %sub3A_131 = vector.broadcast %sub3A_130 : i32 to vector<16xi32>
    %sub3A_132 = arith.subi %get3A_122, %sub3A_131 : vector<16xi32>
    %jit3A_133 = arith.constant 0 : i32
    %jit3A_134 = arith.constant 199 : i32
    %max3A_135 = vector.broadcast %jit3A_133 : i32 to vector<16xi32>
    %max3A_136 = arith.maxsi %max3A_135, %sub3A_132 : vector<16xi32>
    %min3A_137 = vector.broadcast %jit3A_134 : i32 to vector<16xi32>
    %min3A_138 = arith.minsi %min3A_137, %max3A_136 : vector<16xi32>
    %add3A_139 = arith.constant 80 : i32
    %add3A_140 = vector.broadcast %add3A_139 : i32 to vector<16xi32>
    %add3A_141 = arith.addi %iota3A, %add3A_140 : vector<16xi32>
    tpu.vector_store_idx %arg5[%min3A_138, %add3A_141], %broadcast_in_dim3A_5 masked %and3A_129 : memref<200x128xf32, #tpu.memory_space<vmem>>[vector<16xi32>, vector<16xi32>], vector<16xf32>, vector<16xi1>
    %get3A_142 = arith.constant 0 : i32
    %get3A_143 = arith.index_cast %get3A_142 : i32 to index
    %get3A_144 = arith.constant 96 : index
    %get3A_145 = tpu.vector_load %arg4[%get3A_143, %get3A_144] {strides = array<i32>} : memref<50x128xi32, #tpu.memory_space<vmem>>, vector<16xi32>,
    %ge3A_146 = arith.constant 0 : i32
    %ge3A_147 = vector.broadcast %ge3A_146 : i32 to vector<16xi32>
    %ge3A_148 = arith.cmpi sge, %get3A_145, %ge3A_147 : vector<16xi32>
    %lt3A_149 = arith.constant 200 : i32
    %lt3A_150 = vector.broadcast %lt3A_149 : i32 to vector<16xi32>
    %lt3A_151 = arith.cmpi slt, %get3A_145, %lt3A_150 : vector<16xi32>
    %and3A_152 = arith.andi %ge3A_148, %lt3A_151 : vector<16xi1>
    %sub3A_153 = arith.constant 0 : i32
    %sub3A_154 = vector.broadcast %sub3A_153 : i32 to vector<16xi32>
    %sub3A_155 = arith.subi %get3A_145, %sub3A_154 : vector<16xi32>
    %jit3A_156 = arith.constant 0 : i32
    %jit3A_157 = arith.constant 199 : i32
    %max3A_158 = vector.broadcast %jit3A_156 : i32 to vector<16xi32>
    %max3A_159 = arith.maxsi %max3A_158, %sub3A_155 : vector<16xi32>
    %min3A_160 = vector.broadcast %jit3A_157 : i32 to vector<16xi32>
    %min3A_161 = arith.minsi %min3A_160, %max3A_159 : vector<16xi32>
    %add3A_162 = arith.constant 96 : i32
    %add3A_163 = vector.broadcast %add3A_162 : i32 to vector<16xi32>
    %add3A_164 = arith.addi %iota3A, %add3A_163 : vector<16xi32>
    tpu.vector_store_idx %arg5[%min3A_161, %add3A_164], %broadcast_in_dim3A_5 masked %and3A_152 : memref<200x128xf32, #tpu.memory_space<vmem>>[vector<16xi32>, vector<16xi32>], vector<16xf32>, vector<16xi1>
    %get3A_165 = arith.constant 0 : i32
    %get3A_166 = arith.index_cast %get3A_165 : i32 to index
    %get3A_167 = arith.constant 112 : index
    %get3A_168 = tpu.vector_load %arg4[%get3A_166, %get3A_167] {strides = array<i32>} : memref<50x128xi32, #tpu.memory_space<vmem>>, vector<16xi32>,
    %ge3A_169 = arith.constant 0 : i32
    %ge3A_170 = vector.broadcast %ge3A_169 : i32 to vector<16xi32>
    %ge3A_171 = arith.cmpi sge, %get3A_168, %ge3A_170 : vector<16xi32>
    %lt3A_172 = arith.constant 200 : i32
    %lt3A_173 = vector.broadcast %lt3A_172 : i32 to vector<16xi32>
    %lt3A_174 = arith.cmpi slt, %get3A_168, %lt3A_173 : vector<16xi32>
    %and3A_175 = arith.andi %ge3A_171, %lt3A_174 : vector<16xi1>
    %sub3A_176 = arith.constant 0 : i32
    %sub3A_177 = vector.broadcast %sub3A_176 : i32 to vector<16xi32>
    %sub3A_178 = arith.subi %get3A_168, %sub3A_177 : vector<16xi32>
    %jit3A_179 = arith.constant 0 : i32
    %jit3A_180 = arith.constant 199 : i32
    %max3A_181 = vector.broadcast %jit3A_179 : i32 to vector<16xi32>
    %max3A_182 = arith.maxsi %max3A_181, %sub3A_178 : vector<16xi32>
    %min3A_183 = vector.broadcast %jit3A_180 : i32 to vector<16xi32>
    %min3A_184 = arith.minsi %min3A_183, %max3A_182 : vector<16xi32>
    %add3A_185 = arith.constant 112 : i32
    %add3A_186 = vector.broadcast %add3A_185 : i32 to vector<16xi32>
    %add3A_187 = arith.addi %iota3A, %add3A_186 : vector<16xi32>
    tpu.vector_store_idx %arg5[%min3A_184, %add3A_187], %broadcast_in_dim3A_5 masked %and3A_175 : memref<200x128xf32, #tpu.memory_space<vmem>>[vector<16xi32>, vector<16xi32>], vector<16xf32>, vector<16xi1>
    %multiple_of3A = arith.constant 0 : i32
    %multiple_of3A_188 = tpu.assume_multiple %multiple_of3A, 8 : i32
    %dma_start3A = arith.constant 0 : i32
    %dma_start3A_189 = tpu.memref_slice %arg3[%dma_start3A, %multiple_of3A_188, %mul3A_2] : memref<50x1000x4096xf32, #tpu.memory_space<hbm>> -> memref<1x200x128xf32, #tpu.memory_space<hbm>>
    %dma_start3A_190 = tpu.memref_squeeze %dma_start3A_189 : memref<1x200x128xf32, #tpu.memory_space<hbm>> -> memref<200x128xf32, #tpu.memory_space<hbm>>
    %dma_start3A_191 = tpu.memref_slice %arg3[%dma_start3A, %multiple_of3A_188, %mul3A_2] : memref<50x1000x4096xf32, #tpu.memory_space<hbm>> -> memref<1x200x128xf32, #tpu.memory_space<hbm>>
    %dma_start3A_192 = tpu.memref_squeeze %dma_start3A_191 : memref<1x200x128xf32, #tpu.memory_space<hbm>> -> memref<200x128xf32, #tpu.memory_space<hbm>>
    tpu.enqueue_dma source(%arg5 : memref<200x128xf32, #tpu.memory_space<vmem>>) target(%dma_start3A_192 : memref<200x128xf32, #tpu.memory_space<hbm>>) target_semaphore(%arg7 : memref<!tpu.dma_semaphore, #tpu.memory_space<semaphore_mem>>)
    %get3A_193 = arith.constant 0 : i32
    %get3A_194 = arith.index_cast %get3A_193 : i32 to index
    %get3A_195 = arith.constant 0 : index
    %get3A_196 = tpu.vector_load %arg4[%get3A_194, %get3A_195] {strides = array<i32>} : memref<50x128xi32, #tpu.memory_space<vmem>>, vector<16xi32>,
    %ge3A_197 = arith.constant 200 : i32
    %ge3A_198 = vector.broadcast %ge3A_197 : i32 to vector<16xi32>
    %ge3A_199 = arith.cmpi sge, %get3A_196, %ge3A_198 : vector<16xi32>
    %lt3A_200 = arith.constant 400 : i32
    %lt3A_201 = vector.broadcast %lt3A_200 : i32 to vector<16xi32>
    %lt3A_202 = arith.cmpi slt, %get3A_196, %lt3A_201 : vector<16xi32>
    %and3A_203 = arith.andi %ge3A_199, %lt3A_202 : vector<16xi1>
    %sub3A_204 = arith.constant 200 : i32
    %sub3A_205 = vector.broadcast %sub3A_204 : i32 to vector<16xi32>
    %sub3A_206 = arith.subi %get3A_196, %sub3A_205 : vector<16xi32>
    %jit3A_207 = arith.constant 0 : i32
    %jit3A_208 = arith.constant 199 : i32
    %max3A_209 = vector.broadcast %jit3A_207 : i32 to vector<16xi32>
    %max3A_210 = arith.maxsi %max3A_209, %sub3A_206 : vector<16xi32>
    %min3A_211 = vector.broadcast %jit3A_208 : i32 to vector<16xi32>
    %min3A_212 = arith.minsi %min3A_211, %max3A_210 : vector<16xi32>
    %add3A_213 = arith.constant 0 : i32
    %add3A_214 = vector.broadcast %add3A_213 : i32 to vector<16xi32>
    %add3A_215 = arith.addi %iota3A, %add3A_214 : vector<16xi32>
    tpu.vector_store_idx %arg6[%min3A_212, %add3A_215], %broadcast_in_dim3A_5 masked %and3A_203 : memref<200x128xf32, #tpu.memory_space<vmem>>[vector<16xi32>, vector<16xi32>], vector<16xf32>, vector<16xi1>
    %get3A_216 = arith.constant 0 : i32
    %get3A_217 = arith.index_cast %get3A_216 : i32 to index
    %get3A_218 = arith.constant 16 : index
    %get3A_219 = tpu.vector_load %arg4[%get3A_217, %get3A_218] {strides = array<i32>} : memref<50x128xi32, #tpu.memory_space<vmem>>, vector<16xi32>,
    %ge3A_220 = arith.constant 200 : i32
    %ge3A_221 = vector.broadcast %ge3A_220 : i32 to vector<16xi32>
    %ge3A_222 = arith.cmpi sge, %get3A_219, %ge3A_221 : vector<16xi32>
    %lt3A_223 = arith.constant 400 : i32
    %lt3A_224 = vector.broadcast %lt3A_223 : i32 to vector<16xi32>
    %lt3A_225 = arith.cmpi slt, %get3A_219, %lt3A_224 : vector<16xi32>
    %and3A_226 = arith.andi %ge3A_222, %lt3A_225 : vector<16xi1>
    %sub3A_227 = arith.constant 200 : i32
    %sub3A_228 = vector.broadcast %sub3A_227 : i32 to vector<16xi32>
    %sub3A_229 = arith.subi %get3A_219, %sub3A_228 : vector<16xi32>
    %jit3A_230 = arith.constant 0 : i32
    %jit3A_231 = arith.constant 199 : i32
    %max3A_232 = vector.broadcast %jit3A_230 : i32 to vector<16xi32>
    %max3A_233 = arith.maxsi %max3A_232, %sub3A_229 : vector<16xi32>
    %min3A_234 = vector.broadcast %jit3A_231 : i32 to vector<16xi32>
    %min3A_235 = arith.minsi %min3A_234, %max3A_233 : vector<16xi32>
    %add3A_236 = arith.constant 16 : i32
    %add3A_237 = vector.broadcast %add3A_236 : i32 to vector<16xi32>
    %add3A_238 = arith.addi %iota3A, %add3A_237 : vector<16xi32>
    tpu.vector_store_idx %arg6[%min3A_235, %add3A_238], %broadcast_in_dim3A_5 masked %and3A_226 : memref<200x128xf32, #tpu.memory_space<vmem>>[vector<16xi32>, vector<16xi32>], vector<16xf32>, vector<16xi1>
    %get3A_239 = arith.constant 0 : i32
    %get3A_240 = arith.index_cast %get3A_239 : i32 to index
    %get3A_241 = arith.constant 32 : index
    %get3A_242 = tpu.vector_load %arg4[%get3A_240, %get3A_241] {strides = array<i32>} : memref<50x128xi32, #tpu.memory_space<vmem>>, vector<16xi32>,
    %ge3A_243 = arith.constant 200 : i32
    %ge3A_244 = vector.broadcast %ge3A_243 : i32 to vector<16xi32>
    %ge3A_245 = arith.cmpi sge, %get3A_242, %ge3A_244 : vector<16xi32>
    %lt3A_246 = arith.constant 400 : i32
    %lt3A_247 = vector.broadcast %lt3A_246 : i32 to vector<16xi32>
    %lt3A_248 = arith.cmpi slt, %get3A_242, %lt3A_247 : vector<16xi32>
    %and3A_249 = arith.andi %ge3A_245, %lt3A_248 : vector<16xi1>
    %sub3A_250 = arith.constant 200 : i32
    %sub3A_251 = vector.broadcast %sub3A_250 : i32 to vector<16xi32>
    %sub3A_252 = arith.subi %get3A_242, %sub3A_251 : vector<16xi32>
    %jit3A_253 = arith.constant 0 : i32
    %jit3A_254 = arith.constant 199 : i32
    %max3A_255 = vector.broadcast %jit3A_253 : i32 to vector<16xi32>
    %max3A_256 = arith.maxsi %max3A_255, %sub3A_252 : vector<16xi32>
    %min3A_257 = vector.broadcast %jit3A_254 : i32 to vector<16xi32>
    %min3A_258 = arith.minsi %min3A_257, %max3A_256 : vector<16xi32>
    %add3A_259 = arith.constant 32 : i32
    %add3A_260 = vector.broadcast %add3A_259 : i32 to vector<16xi32>
    %add3A_261 = arith.addi %iota3A, %add3A_260 : vector<16xi32>
    tpu.vector_store_idx %arg6[%min3A_258, %add3A_261], %broadcast_in_dim3A_5 masked %and3A_249 : memref<200x128xf32, #tpu.memory_space<vmem>>[vector<16xi32>, vector<16xi32>], vector<16xf32>, vector<16xi1>
    %get3A_262 = arith.constant 0 : i32
    %get3A_263 = arith.index_cast %get3A_262 : i32 to index
    %get3A_264 = arith.constant 48 : index
    %get3A_265 = tpu.vector_load %arg4[%get3A_263, %get3A_264] {strides = array<i32>} : memref<50x128xi32, #tpu.memory_space<vmem>>, vector<16xi32>,
    %ge3A_266 = arith.constant 200 : i32
    %ge3A_267 = vector.broadcast %ge3A_266 : i32 to vector<16xi32>
    %ge3A_268 = arith.cmpi sge, %get3A_265, %ge3A_267 : vector<16xi32>
    %lt3A_269 = arith.constant 400 : i32
    %lt3A_270 = vector.broadcast %lt3A_269 : i32 to vector<16xi32>
    %lt3A_271 = arith.cmpi slt, %get3A_265, %lt3A_270 : vector<16xi32>
    %and3A_272 = arith.andi %ge3A_268, %lt3A_271 : vector<16xi1>
    %sub3A_273 = arith.constant 200 : i32
    %sub3A_274 = vector.broadcast %sub3A_273 : i32 to vector<16xi32>
    %sub3A_275 = arith.subi %get3A_265, %sub3A_274 : vector<16xi32>
    %jit3A_276 = arith.constant 0 : i32
    %jit3A_277 = arith.constant 199 : i32
    %max3A_278 = vector.broadcast %jit3A_276 : i32 to vector<16xi32>
    %max3A_279 = arith.maxsi %max3A_278, %sub3A_275 : vector<16xi32>
    %min3A_280 = vector.broadcast %jit3A_277 : i32 to vector<16xi32>
    %min3A_281 = arith.minsi %min3A_280, %max3A_279 : vector<16xi32>
    %add3A_282 = arith.constant 48 : i32
    %add3A_283 = vector.broadcast %add3A_282 : i32 to vector<16xi32>
    %add3A_284 = arith.addi %iota3A, %add3A_283 : vector<16xi32>
    tpu.vector_store_idx %arg6[%min3A_281, %add3A_284], %broadcast_in_dim3A_5 masked %and3A_272 : memref<200x128xf32, #tpu.memory_space<vmem>>[vector<16xi32>, vector<16xi32>], vector<16xf32>, vector<16xi1>
    %get3A_285 = arith.constant 0 : i32
    %get3A_286 = arith.index_cast %get3A_285 : i32 to index
    %get3A_287 = arith.constant 64 : index
    %get3A_288 = tpu.vector_load %arg4[%get3A_286, %get3A_287] {strides = array<i32>} : memref<50x128xi32, #tpu.memory_space<vmem>>, vector<16xi32>,
    %ge3A_289 = arith.constant 200 : i32
    %ge3A_290 = vector.broadcast %ge3A_289 : i32 to vector<16xi32>
    %ge3A_291 = arith.cmpi sge, %get3A_288, %ge3A_290 : vector<16xi32>
    %lt3A_292 = arith.constant 400 : i32
    %lt3A_293 = vector.broadcast %lt3A_292 : i32 to vector<16xi32>
    %lt3A_294 = arith.cmpi slt, %get3A_288, %lt3A_293 : vector<16xi32>
    %and3A_295 = arith.andi %ge3A_291, %lt3A_294 : vector<16xi1>
    %sub3A_296 = arith.constant 200 : i32
    %sub3A_297 = vector.broadcast %sub3A_296 : i32 to vector<16xi32>
    %sub3A_298 = arith.subi %get3A_288, %sub3A_297 : vector<16xi32>
    %jit3A_299 = arith.constant 0 : i32
    %jit3A_300 = arith.constant 199 : i32
    %max3A_301 = vector.broadcast %jit3A_299 : i32 to vector<16xi32>
    %max3A_302 = arith.maxsi %max3A_301, %sub3A_298 : vector<16xi32>
    %min3A_303 = vector.broadcast %jit3A_300 : i32 to vector<16xi32>
    %min3A_304 = arith.minsi %min3A_303, %max3A_302 : vector<16xi32>
    %add3A_305 = arith.constant 64 : i32
    %add3A_306 = vector.broadcast %add3A_305 : i32 to vector<16xi32>
    %add3A_307 = arith.addi %iota3A, %add3A_306 : vector<16xi32>
    tpu.vector_store_idx %arg6[%min3A_304, %add3A_307], %broadcast_in_dim3A_5 masked %and3A_295 : memref<200x128xf32, #tpu.memory_space<vmem>>[vector<16xi32>, vector<16xi32>], vector<16xf32>, vector<16xi1>
    %get3A_308 = arith.constant 0 : i32
    %get3A_309 = arith.index_cast %get3A_308 : i32 to index
    %get3A_310 = arith.constant 80 : index
    %get3A_311 = tpu.vector_load %arg4[%get3A_309, %get3A_310] {strides = array<i32>} : memref<50x128xi32, #tpu.memory_space<vmem>>, vector<16xi32>,
    %ge3A_312 = arith.constant 200 : i32
    %ge3A_313 = vector.broadcast %ge3A_312 : i32 to vector<16xi32>
    %ge3A_314 = arith.cmpi sge, %get3A_311, %ge3A_313 : vector<16xi32>
    %lt3A_315 = arith.constant 400 : i32
    %lt3A_316 = vector.broadcast %lt3A_315 : i32 to vector<16xi32>
    %lt3A_317 = arith.cmpi slt, %get3A_311, %lt3A_316 : vector<16xi32>
    %and3A_318 = arith.andi %ge3A_314, %lt3A_317 : vector<16xi1>
    %sub3A_319 = arith.constant 200 : i32
    %sub3A_320 = vector.broadcast %sub3A_319 : i32 to vector<16xi32>
    %sub3A_321 = arith.subi %get3A_311, %sub3A_320 : vector<16xi32>
    %jit3A_322 = arith.constant 0 : i32
    %jit3A_323 = arith.constant 199 : i32
    %max3A_324 = vector.broadcast %jit3A_322 : i32 to vector<16xi32>
    %max3A_325 = arith.maxsi %max3A_324, %sub3A_321 : vector<16xi32>
    %min3A_326 = vector.broadcast %jit3A_323 : i32 to vector<16xi32>
    %min3A_327 = arith.minsi %min3A_326, %max3A_325 : vector<16xi32>
    %add3A_328 = arith.constant 80 : i32
    %add3A_329 = vector.broadcast %add3A_328 : i32 to vector<16xi32>
    %add3A_330 = arith.addi %iota3A, %add3A_329 : vector<16xi32>
    tpu.vector_store_idx %arg6[%min3A_327, %add3A_330], %broadcast_in_dim3A_5 masked %and3A_318 : memref<200x128xf32, #tpu.memory_space<vmem>>[vector<16xi32>, vector<16xi32>], vector<16xf32>, vector<16xi1>
    %get3A_331 = arith.constant 0 : i32
    %get3A_332 = arith.index_cast %get3A_331 : i32 to index
    %get3A_333 = arith.constant 96 : index
    %get3A_334 = tpu.vector_load %arg4[%get3A_332, %get3A_333] {strides = array<i32>} : memref<50x128xi32, #tpu.memory_space<vmem>>, vector<16xi32>,
    %ge3A_335 = arith.constant 200 : i32
    %ge3A_336 = vector.broadcast %ge3A_335 : i32 to vector<16xi32>
    %ge3A_337 = arith.cmpi sge, %get3A_334, %ge3A_336 : vector<16xi32>
    %lt3A_338 = arith.constant 400 : i32
    %lt3A_339 = vector.broadcast %lt3A_338 : i32 to vector<16xi32>
    %lt3A_340 = arith.cmpi slt, %get3A_334, %lt3A_339 : vector<16xi32>
    %and3A_341 = arith.andi %ge3A_337, %lt3A_340 : vector<16xi1>
    %sub3A_342 = arith.constant 200 : i32
    %sub3A_343 = vector.broadcast %sub3A_342 : i32 to vector<16xi32>
    %sub3A_344 = arith.subi %get3A_334, %sub3A_343 : vector<16xi32>
    %jit3A_345 = arith.constant 0 : i32
    %jit3A_346 = arith.constant 199 : i32
    %max3A_347 = vector.broadcast %jit3A_345 : i32 to vector<16xi32>
    %max3A_348 = arith.maxsi %max3A_347, %sub3A_344 : vector<16xi32>
    %min3A_349 = vector.broadcast %jit3A_346 : i32 to vector<16xi32>
    %min3A_350 = arith.minsi %min3A_349, %max3A_348 : vector<16xi32>
    %add3A_351 = arith.constant 96 : i32
    %add3A_352 = vector.broadcast %add3A_351 : i32 to vector<16xi32>
    %add3A_353 = arith.addi %iota3A, %add3A_352 : vector<16xi32>
    tpu.vector_store_idx %arg6[%min3A_350, %add3A_353], %broadcast_in_dim3A_5 masked %and3A_341 : memref<200x128xf32, #tpu.memory_space<vmem>>[vector<16xi32>, vector<16xi32>], vector<16xf32>, vector<16xi1>
    %get3A_354 = arith.constant 0 : i32
    %get3A_355 = arith.index_cast %get3A_354 : i32 to index
    %get3A_356 = arith.constant 112 : index
    %get3A_357 = tpu.vector_load %arg4[%get3A_355, %get3A_356] {strides = array<i32>} : memref<50x128xi32, #tpu.memory_space<vmem>>, vector<16xi32>,
    %ge3A_358 = arith.constant 200 : i32
    %ge3A_359 = vector.broadcast %ge3A_358 : i32 to vector<16xi32>
    %ge3A_360 = arith.cmpi sge, %get3A_357, %ge3A_359 : vector<16xi32>
    %lt3A_361 = arith.constant 400 : i32
    %lt3A_362 = vector.broadcast %lt3A_361 : i32 to vector<16xi32>
    %lt3A_363 = arith.cmpi slt, %get3A_357, %lt3A_362 : vector<16xi32>
    %and3A_364 = arith.andi %ge3A_360, %lt3A_363 : vector<16xi1>
    %sub3A_365 = arith.constant 200 : i32
    %sub3A_366 = vector.broadcast %sub3A_365 : i32 to vector<16xi32>
    %sub3A_367 = arith.subi %get3A_357, %sub3A_366 : vector<16xi32>
    %jit3A_368 = arith.constant 0 : i32
    %jit3A_369 = arith.constant 199 : i32
    %max3A_370 = vector.broadcast %jit3A_368 : i32 to vector<16xi32>
    %max3A_371 = arith.maxsi %max3A_370, %sub3A_367 : vector<16xi32>
    %min3A_372 = vector.broadcast %jit3A_369 : i32 to vector<16xi32>
    %min3A_373 = arith.minsi %min3A_372, %max3A_371 : vector<16xi32>
    %add3A_374 = arith.constant 112 : i32
    %add3A_375 = vector.broadcast %add3A_374 : i32 to vector<16xi32>
    %add3A_376 = arith.addi %iota3A, %add3A_375 : vector<16xi32>
    tpu.vector_store_idx %arg6[%min3A_373, %add3A_376], %broadcast_in_dim3A_5 masked %and3A_364 : memref<200x128xf32, #tpu.memory_space<vmem>>[vector<16xi32>, vector<16xi32>], vector<16xf32>, vector<16xi1>
    %multiple_of3A_377 = arith.constant 200 : i32
    %multiple_of3A_378 = tpu.assume_multiple %multiple_of3A_377, 8 : i32
    %dma_start3A_379 = arith.constant 0 : i32
    %dma_start3A_380 = tpu.memref_slice %arg3[%dma_start3A_379, %multiple_of3A_378, %mul3A_2] : memref<50x1000x4096xf32, #tpu.memory_space<hbm>> -> memref<1x200x128xf32, #tpu.memory_space<hbm>>
    %dma_start3A_381 = tpu.memref_squeeze %dma_start3A_380 : memref<1x200x128xf32, #tpu.memory_space<hbm>> -> memref<200x128xf32, #tpu.memory_space<hbm>>
    %dma_start3A_382 = tpu.memref_slice %arg3[%dma_start3A_379, %multiple_of3A_378, %mul3A_2] : memref<50x1000x4096xf32, #tpu.memory_space<hbm>> -> memref<1x200x128xf32, #tpu.memory_space<hbm>>
    %dma_start3A_383 = tpu.memref_squeeze %dma_start3A_382 : memref<1x200x128xf32, #tpu.memory_space<hbm>> -> memref<200x128xf32, #tpu.memory_space<hbm>>
    tpu.enqueue_dma source(%arg6 : memref<200x128xf32, #tpu.memory_space<vmem>>) target(%dma_start3A_383 : memref<200x128xf32, #tpu.memory_space<hbm>>) target_semaphore(%arg8 : memref<!tpu.dma_semaphore, #tpu.memory_space<semaphore_mem>>)
    %scan3A_384 = arith.constant 0 : i32
    %scan3A_385 = arith.constant 0 : i32
    %scan3A_386 = arith.constant 124 : i32
    %scan3A_387 = arith.addi %scan3A_385, %scan3A_386 : i32
    %scan3A_388 = arith.constant 1 : i32
    %scan3A_389 = scf.for %scan3A_404 = %scan3A_385 to %scan3A_387 step %scan3A_388 iter_args(%scan3A_405 = %scan3A_384) -> (i32)  : i32 {
      %mul3A_406 = arith.constant 2 : i32
      %mul3A_407 = arith.muli %mul3A_406, %scan3A_404 : i32
      %add3A_408 = arith.constant 2 : i32
      %add3A_409 = arith.addi %mul3A_407, %add3A_408 : i32
      %dma_wait3A_410 = arith.constant 0 : i32
      %dma_wait3A_411 = arith.constant 0 : i32
      %dma_wait3A_412 = tpu.memref_slice %arg3[%dma_wait3A_410, %dma_wait3A_411, %mul3A_2] : memref<50x1000x4096xf32, #tpu.memory_space<hbm>> -> memref<1x200x128xf32, #tpu.memory_space<hbm>>
      %dma_wait3A_413 = tpu.memref_squeeze %dma_wait3A_412 : memref<1x200x128xf32, #tpu.memory_space<hbm>> -> memref<200x128xf32, #tpu.memory_space<hbm>>
      %dma_wait3A_414 = arith.constant 0 : i32
      %dma_wait3A_415 = tpu.memref_slice %arg3[%dma_wait3A_410, %dma_wait3A_414, %mul3A_2] : memref<50x1000x4096xf32, #tpu.memory_space<hbm>> -> memref<1x200x128xf32, #tpu.memory_space<hbm>>
      %dma_wait3A_416 = tpu.memref_squeeze %dma_wait3A_415 : memref<1x200x128xf32, #tpu.memory_space<hbm>> -> memref<200x128xf32, #tpu.memory_space<hbm>>
      tpu.wait_dma2 semaphore(%arg7 : memref<!tpu.dma_semaphore, #tpu.memory_space<semaphore_mem>>) src(%arg5 : memref<200x128xf32, #tpu.memory_space<vmem>>) dst(%dma_wait3A_416 : memref<200x128xf32, #tpu.memory_space<hbm>>)
      %sub3A_417 = arith.constant 2 : i32
      %sub3A_418 = arith.subi %add3A_409, %sub3A_417 : i32
      %jit3A_419 = arith.constant 5 : i32
      %div3A = arith.divsi %sub3A_418, %jit3A_419 : i32
      %sign3A = arith.constant 0 : i32
      %sign3A_420 = arith.cmpi sgt, %sub3A_418, %sign3A : i32
      %sign3A_421 = arith.extui %sign3A_420 : i1 to i32
      %sign3A_422 = arith.constant 0 : i32
      %sign3A_423 = arith.cmpi slt, %sub3A_418, %sign3A_422 : i32
      %sign3A_424 = arith.extui %sign3A_423 : i1 to i32
      %sign3A_425 = arith.subi %sign3A_421, %sign3A_424 : i32
      %sign3A_426 = arith.constant 0 : i32
      %sign3A_427 = arith.cmpi sgt, %jit3A_419, %sign3A_426 : i32
      %sign3A_428 = arith.extui %sign3A_427 : i1 to i32
      %sign3A_429 = arith.constant 0 : i32
      %sign3A_430 = arith.cmpi slt, %jit3A_419, %sign3A_429 : i32
      %sign3A_431 = arith.extui %sign3A_430 : i1 to i32
      %sign3A_432 = arith.subi %sign3A_428, %sign3A_431 : i32
      %ne3A = arith.cmpi ne, %sign3A_425, %sign3A_432 : i32
      %rem3A = arith.remsi %sub3A_418, %jit3A_419 : i32
      %ne3A_433 = arith.constant 0 : i32
      %ne3A_434 = arith.cmpi ne, %rem3A, %ne3A_433 : i32
      %and3A_435 = arith.andi %ne3A, %ne3A_434 : i1
      %sub3A_436 = arith.constant 1 : i32
      %sub3A_437 = arith.subi %div3A, %sub3A_436 : i32
      %select_n3A = arith.select %and3A_435, %sub3A_437, %div3A : i32
      %jit3A_438 = arith.constant 5 : i32
      %eq3A = arith.constant 0 : i32
      %eq3A_439 = arith.cmpi eq, %jit3A_438, %eq3A : i32
      %jit3A_440 = arith.constant 1 : i32
      %select_n3A_441 = arith.select %eq3A_439, %jit3A_440, %jit3A_438 : i32
      %rem3A_442 = arith.remsi %sub3A_418, %select_n3A_441 : i32
      %ne3A_443 = arith.constant 0 : i32
      %ne3A_444 = arith.cmpi ne, %rem3A_442, %ne3A_443 : i32
      %lt3A_445 = arith.constant 0 : i32
      %lt3A_446 = arith.cmpi slt, %rem3A_442, %lt3A_445 : i32
      %lt3A_447 = arith.constant 0 : i32
      %lt3A_448 = arith.cmpi slt, %select_n3A_441, %lt3A_447 : i32
      %ne3A_449 = arith.xori %lt3A_446, %lt3A_448 : i1
      %and3A_450 = arith.andi %ne3A_449, %ne3A_444 : i1
      %add3A_451 = arith.addi %rem3A_442, %select_n3A_441 : i32
      %select_n3A_452 = arith.select %and3A_450, %add3A_451, %rem3A_442 : i32
      %mul3A_453 = arith.constant 200 : i32
      %mul3A_454 = arith.muli %select_n3A_452, %mul3A_453 : i32
      %get3A_455 = arith.index_cast %select_n3A : i32 to index
      %get3A_456 = arith.constant 0 : index
      %get3A_457 = tpu.vector_load %arg4[%get3A_455, %get3A_456] {strides = array<i32>} : memref<50x128xi32, #tpu.memory_space<vmem>>, vector<16xi32>,
      %ge3A_458 = vector.broadcast %mul3A_454 : i32 to vector<16xi32>
      %ge3A_459 = arith.cmpi sge, %get3A_457, %ge3A_458 : vector<16xi32>
      %add3A_460 = arith.constant 200 : i32
      %add3A_461 = arith.addi %mul3A_454, %add3A_460 : i32
      %lt3A_462 = vector.broadcast %add3A_461 : i32 to vector<16xi32>
      %lt3A_463 = arith.cmpi slt, %get3A_457, %lt3A_462 : vector<16xi32>
      %and3A_464 = arith.andi %ge3A_459, %lt3A_463 : vector<16xi1>
      %sub3A_465 = vector.broadcast %mul3A_454 : i32 to vector<16xi32>
      %sub3A_466 = arith.subi %get3A_457, %sub3A_465 : vector<16xi32>
      %jit3A_467 = arith.constant 0 : i32
      %jit3A_468 = arith.constant 199 : i32
      %max3A_469 = vector.broadcast %jit3A_467 : i32 to vector<16xi32>
      %max3A_470 = arith.maxsi %max3A_469, %sub3A_466 : vector<16xi32>
      %min3A_471 = vector.broadcast %jit3A_468 : i32 to vector<16xi32>
      %min3A_472 = arith.minsi %min3A_471, %max3A_470 : vector<16xi32>
      %add3A_473 = arith.constant 0 : i32
      %add3A_474 = vector.broadcast %add3A_473 : i32 to vector<16xi32>
      %add3A_475 = arith.addi %iota3A, %add3A_474 : vector<16xi32>
      tpu.vector_store_idx %arg5[%min3A_472, %add3A_475], %broadcast_in_dim3A_3 masked %and3A_464 : memref<200x128xf32, #tpu.memory_space<vmem>>[vector<16xi32>, vector<16xi32>], vector<16xf32>, vector<16xi1>
      %get3A_476 = arith.index_cast %select_n3A : i32 to index
      %get3A_477 = arith.constant 16 : index
      %get3A_478 = tpu.vector_load %arg4[%get3A_476, %get3A_477] {strides = array<i32>} : memref<50x128xi32, #tpu.memory_space<vmem>>, vector<16xi32>,
      %ge3A_479 = vector.broadcast %mul3A_454 : i32 to vector<16xi32>
      %ge3A_480 = arith.cmpi sge, %get3A_478, %ge3A_479 : vector<16xi32>
      %add3A_481 = arith.constant 200 : i32
      %add3A_482 = arith.addi %mul3A_454, %add3A_481 : i32
      %lt3A_483 = vector.broadcast %add3A_482 : i32 to vector<16xi32>
      %lt3A_484 = arith.cmpi slt, %get3A_478, %lt3A_483 : vector<16xi32>
      %and3A_485 = arith.andi %ge3A_480, %lt3A_484 : vector<16xi1>
      %sub3A_486 = vector.broadcast %mul3A_454 : i32 to vector<16xi32>
      %sub3A_487 = arith.subi %get3A_478, %sub3A_486 : vector<16xi32>
      %jit3A_488 = arith.constant 0 : i32
      %jit3A_489 = arith.constant 199 : i32
      %max3A_490 = vector.broadcast %jit3A_488 : i32 to vector<16xi32>
      %max3A_491 = arith.maxsi %max3A_490, %sub3A_487 : vector<16xi32>
      %min3A_492 = vector.broadcast %jit3A_489 : i32 to vector<16xi32>
      %min3A_493 = arith.minsi %min3A_492, %max3A_491 : vector<16xi32>
      %add3A_494 = arith.constant 16 : i32
      %add3A_495 = vector.broadcast %add3A_494 : i32 to vector<16xi32>
      %add3A_496 = arith.addi %iota3A, %add3A_495 : vector<16xi32>
      tpu.vector_store_idx %arg5[%min3A_493, %add3A_496], %broadcast_in_dim3A_3 masked %and3A_485 : memref<200x128xf32, #tpu.memory_space<vmem>>[vector<16xi32>, vector<16xi32>], vector<16xf32>, vector<16xi1>
      %get3A_497 = arith.index_cast %select_n3A : i32 to index
      %get3A_498 = arith.constant 32 : index
      %get3A_499 = tpu.vector_load %arg4[%get3A_497, %get3A_498] {strides = array<i32>} : memref<50x128xi32, #tpu.memory_space<vmem>>, vector<16xi32>,
      %ge3A_500 = vector.broadcast %mul3A_454 : i32 to vector<16xi32>
      %ge3A_501 = arith.cmpi sge, %get3A_499, %ge3A_500 : vector<16xi32>
      %add3A_502 = arith.constant 200 : i32
      %add3A_503 = arith.addi %mul3A_454, %add3A_502 : i32
      %lt3A_504 = vector.broadcast %add3A_503 : i32 to vector<16xi32>
      %lt3A_505 = arith.cmpi slt, %get3A_499, %lt3A_504 : vector<16xi32>
      %and3A_506 = arith.andi %ge3A_501, %lt3A_505 : vector<16xi1>
      %sub3A_507 = vector.broadcast %mul3A_454 : i32 to vector<16xi32>
      %sub3A_508 = arith.subi %get3A_499, %sub3A_507 : vector<16xi32>
      %jit3A_509 = arith.constant 0 : i32
      %jit3A_510 = arith.constant 199 : i32
      %max3A_511 = vector.broadcast %jit3A_509 : i32 to vector<16xi32>
      %max3A_512 = arith.maxsi %max3A_511, %sub3A_508 : vector<16xi32>
      %min3A_513 = vector.broadcast %jit3A_510 : i32 to vector<16xi32>
      %min3A_514 = arith.minsi %min3A_513, %max3A_512 : vector<16xi32>
      %add3A_515 = arith.constant 32 : i32
      %add3A_516 = vector.broadcast %add3A_515 : i32 to vector<16xi32>
      %add3A_517 = arith.addi %iota3A, %add3A_516 : vector<16xi32>
      tpu.vector_store_idx %arg5[%min3A_514, %add3A_517], %broadcast_in_dim3A_3 masked %and3A_506 : memref<200x128xf32, #tpu.memory_space<vmem>>[vector<16xi32>, vector<16xi32>], vector<16xf32>, vector<16xi1>
      %get3A_518 = arith.index_cast %select_n3A : i32 to index
      %get3A_519 = arith.constant 48 : index
      %get3A_520 = tpu.vector_load %arg4[%get3A_518, %get3A_519] {strides = array<i32>} : memref<50x128xi32, #tpu.memory_space<vmem>>, vector<16xi32>,
      %ge3A_521 = vector.broadcast %mul3A_454 : i32 to vector<16xi32>
      %ge3A_522 = arith.cmpi sge, %get3A_520, %ge3A_521 : vector<16xi32>
      %add3A_523 = arith.constant 200 : i32
      %add3A_524 = arith.addi %mul3A_454, %add3A_523 : i32
      %lt3A_525 = vector.broadcast %add3A_524 : i32 to vector<16xi32>
      %lt3A_526 = arith.cmpi slt, %get3A_520, %lt3A_525 : vector<16xi32>
      %and3A_527 = arith.andi %ge3A_522, %lt3A_526 : vector<16xi1>
      %sub3A_528 = vector.broadcast %mul3A_454 : i32 to vector<16xi32>
      %sub3A_529 = arith.subi %get3A_520, %sub3A_528 : vector<16xi32>
      %jit3A_530 = arith.constant 0 : i32
      %jit3A_531 = arith.constant 199 : i32
      %max3A_532 = vector.broadcast %jit3A_530 : i32 to vector<16xi32>
      %max3A_533 = arith.maxsi %max3A_532, %sub3A_529 : vector<16xi32>
      %min3A_534 = vector.broadcast %jit3A_531 : i32 to vector<16xi32>
      %min3A_535 = arith.minsi %min3A_534, %max3A_533 : vector<16xi32>
      %add3A_536 = arith.constant 48 : i32
      %add3A_537 = vector.broadcast %add3A_536 : i32 to vector<16xi32>
      %add3A_538 = arith.addi %iota3A, %add3A_537 : vector<16xi32>
      tpu.vector_store_idx %arg5[%min3A_535, %add3A_538], %broadcast_in_dim3A_3 masked %and3A_527 : memref<200x128xf32, #tpu.memory_space<vmem>>[vector<16xi32>, vector<16xi32>], vector<16xf32>, vector<16xi1>
      %get3A_539 = arith.index_cast %select_n3A : i32 to index
      %get3A_540 = arith.constant 64 : index
      %get3A_541 = tpu.vector_load %arg4[%get3A_539, %get3A_540] {strides = array<i32>} : memref<50x128xi32, #tpu.memory_space<vmem>>, vector<16xi32>,
      %ge3A_542 = vector.broadcast %mul3A_454 : i32 to vector<16xi32>
      %ge3A_543 = arith.cmpi sge, %get3A_541, %ge3A_542 : vector<16xi32>
      %add3A_544 = arith.constant 200 : i32
      %add3A_545 = arith.addi %mul3A_454, %add3A_544 : i32
      %lt3A_546 = vector.broadcast %add3A_545 : i32 to vector<16xi32>
      %lt3A_547 = arith.cmpi slt, %get3A_541, %lt3A_546 : vector<16xi32>
      %and3A_548 = arith.andi %ge3A_543, %lt3A_547 : vector<16xi1>
      %sub3A_549 = vector.broadcast %mul3A_454 : i32 to vector<16xi32>
      %sub3A_550 = arith.subi %get3A_541, %sub3A_549 : vector<16xi32>
      %jit3A_551 = arith.constant 0 : i32
      %jit3A_552 = arith.constant 199 : i32
      %max3A_553 = vector.broadcast %jit3A_551 : i32 to vector<16xi32>
      %max3A_554 = arith.maxsi %max3A_553, %sub3A_550 : vector<16xi32>
      %min3A_555 = vector.broadcast %jit3A_552 : i32 to vector<16xi32>
      %min3A_556 = arith.minsi %min3A_555, %max3A_554 : vector<16xi32>
      %add3A_557 = arith.constant 64 : i32
      %add3A_558 = vector.broadcast %add3A_557 : i32 to vector<16xi32>
      %add3A_559 = arith.addi %iota3A, %add3A_558 : vector<16xi32>
      tpu.vector_store_idx %arg5[%min3A_556, %add3A_559], %broadcast_in_dim3A_3 masked %and3A_548 : memref<200x128xf32, #tpu.memory_space<vmem>>[vector<16xi32>, vector<16xi32>], vector<16xf32>, vector<16xi1>
      %get3A_560 = arith.index_cast %select_n3A : i32 to index
      %get3A_561 = arith.constant 80 : index
      %get3A_562 = tpu.vector_load %arg4[%get3A_560, %get3A_561] {strides = array<i32>} : memref<50x128xi32, #tpu.memory_space<vmem>>, vector<16xi32>,
      %ge3A_563 = vector.broadcast %mul3A_454 : i32 to vector<16xi32>
      %ge3A_564 = arith.cmpi sge, %get3A_562, %ge3A_563 : vector<16xi32>
      %add3A_565 = arith.constant 200 : i32
      %add3A_566 = arith.addi %mul3A_454, %add3A_565 : i32
      %lt3A_567 = vector.broadcast %add3A_566 : i32 to vector<16xi32>
      %lt3A_568 = arith.cmpi slt, %get3A_562, %lt3A_567 : vector<16xi32>
      %and3A_569 = arith.andi %ge3A_564, %lt3A_568 : vector<16xi1>
      %sub3A_570 = vector.broadcast %mul3A_454 : i32 to vector<16xi32>
      %sub3A_571 = arith.subi %get3A_562, %sub3A_570 : vector<16xi32>
      %jit3A_572 = arith.constant 0 : i32
      %jit3A_573 = arith.constant 199 : i32
      %max3A_574 = vector.broadcast %jit3A_572 : i32 to vector<16xi32>
      %max3A_575 = arith.maxsi %max3A_574, %sub3A_571 : vector<16xi32>
      %min3A_576 = vector.broadcast %jit3A_573 : i32 to vector<16xi32>
      %min3A_577 = arith.minsi %min3A_576, %max3A_575 : vector<16xi32>
      %add3A_578 = arith.constant 80 : i32
      %add3A_579 = vector.broadcast %add3A_578 : i32 to vector<16xi32>
      %add3A_580 = arith.addi %iota3A, %add3A_579 : vector<16xi32>
      tpu.vector_store_idx %arg5[%min3A_577, %add3A_580], %broadcast_in_dim3A_3 masked %and3A_569 : memref<200x128xf32, #tpu.memory_space<vmem>>[vector<16xi32>, vector<16xi32>], vector<16xf32>, vector<16xi1>
      %get3A_581 = arith.index_cast %select_n3A : i32 to index
      %get3A_582 = arith.constant 96 : index
      %get3A_583 = tpu.vector_load %arg4[%get3A_581, %get3A_582] {strides = array<i32>} : memref<50x128xi32, #tpu.memory_space<vmem>>, vector<16xi32>,
      %ge3A_584 = vector.broadcast %mul3A_454 : i32 to vector<16xi32>
      %ge3A_585 = arith.cmpi sge, %get3A_583, %ge3A_584 : vector<16xi32>
      %add3A_586 = arith.constant 200 : i32
      %add3A_587 = arith.addi %mul3A_454, %add3A_586 : i32
      %lt3A_588 = vector.broadcast %add3A_587 : i32 to vector<16xi32>
      %lt3A_589 = arith.cmpi slt, %get3A_583, %lt3A_588 : vector<16xi32>
      %and3A_590 = arith.andi %ge3A_585, %lt3A_589 : vector<16xi1>
      %sub3A_591 = vector.broadcast %mul3A_454 : i32 to vector<16xi32>
      %sub3A_592 = arith.subi %get3A_583, %sub3A_591 : vector<16xi32>
      %jit3A_593 = arith.constant 0 : i32
      %jit3A_594 = arith.constant 199 : i32
      %max3A_595 = vector.broadcast %jit3A_593 : i32 to vector<16xi32>
      %max3A_596 = arith.maxsi %max3A_595, %sub3A_592 : vector<16xi32>
      %min3A_597 = vector.broadcast %jit3A_594 : i32 to vector<16xi32>
      %min3A_598 = arith.minsi %min3A_597, %max3A_596 : vector<16xi32>
      %add3A_599 = arith.constant 96 : i32
      %add3A_600 = vector.broadcast %add3A_599 : i32 to vector<16xi32>
      %add3A_601 = arith.addi %iota3A, %add3A_600 : vector<16xi32>
      tpu.vector_store_idx %arg5[%min3A_598, %add3A_601], %broadcast_in_dim3A_3 masked %and3A_590 : memref<200x128xf32, #tpu.memory_space<vmem>>[vector<16xi32>, vector<16xi32>], vector<16xf32>, vector<16xi1>
      %get3A_602 = arith.index_cast %select_n3A : i32 to index
      %get3A_603 = arith.constant 112 : index
      %get3A_604 = tpu.vector_load %arg4[%get3A_602, %get3A_603] {strides = array<i32>} : memref<50x128xi32, #tpu.memory_space<vmem>>, vector<16xi32>,
      %ge3A_605 = vector.broadcast %mul3A_454 : i32 to vector<16xi32>
      %ge3A_606 = arith.cmpi sge, %get3A_604, %ge3A_605 : vector<16xi32>
      %add3A_607 = arith.constant 200 : i32
      %add3A_608 = arith.addi %mul3A_454, %add3A_607 : i32
      %lt3A_609 = vector.broadcast %add3A_608 : i32 to vector<16xi32>
      %lt3A_610 = arith.cmpi slt, %get3A_604, %lt3A_609 : vector<16xi32>
      %and3A_611 = arith.andi %ge3A_606, %lt3A_610 : vector<16xi1>
      %sub3A_612 = vector.broadcast %mul3A_454 : i32 to vector<16xi32>
      %sub3A_613 = arith.subi %get3A_604, %sub3A_612 : vector<16xi32>
      %jit3A_614 = arith.constant 0 : i32
      %jit3A_615 = arith.constant 199 : i32
      %max3A_616 = vector.broadcast %jit3A_614 : i32 to vector<16xi32>
      %max3A_617 = arith.maxsi %max3A_616, %sub3A_613 : vector<16xi32>
      %min3A_618 = vector.broadcast %jit3A_615 : i32 to vector<16xi32>
      %min3A_619 = arith.minsi %min3A_618, %max3A_617 : vector<16xi32>
      %add3A_620 = arith.constant 112 : i32
      %add3A_621 = vector.broadcast %add3A_620 : i32 to vector<16xi32>
      %add3A_622 = arith.addi %iota3A, %add3A_621 : vector<16xi32>
      tpu.vector_store_idx %arg5[%min3A_619, %add3A_622], %broadcast_in_dim3A_3 masked %and3A_611 : memref<200x128xf32, #tpu.memory_space<vmem>>[vector<16xi32>, vector<16xi32>], vector<16xf32>, vector<16xi1>
      %jit3A_623 = arith.constant 5 : i32
      %div3A_624 = arith.divsi %add3A_409, %jit3A_623 : i32
      %sign3A_625 = arith.constant 0 : i32
      %sign3A_626 = arith.cmpi sgt, %add3A_409, %sign3A_625 : i32
      %sign3A_627 = arith.extui %sign3A_626 : i1 to i32
      %sign3A_628 = arith.constant 0 : i32
      %sign3A_629 = arith.cmpi slt, %add3A_409, %sign3A_628 : i32
      %sign3A_630 = arith.extui %sign3A_629 : i1 to i32
      %sign3A_631 = arith.subi %sign3A_627, %sign3A_630 : i32
      %sign3A_632 = arith.constant 0 : i32
      %sign3A_633 = arith.cmpi sgt, %jit3A_623, %sign3A_632 : i32
      %sign3A_634 = arith.extui %sign3A_633 : i1 to i32
      %sign3A_635 = arith.constant 0 : i32
      %sign3A_636 = arith.cmpi slt, %jit3A_623, %sign3A_635 : i32
      %sign3A_637 = arith.extui %sign3A_636 : i1 to i32
      %sign3A_638 = arith.subi %sign3A_634, %sign3A_637 : i32
      %ne3A_639 = arith.cmpi ne, %sign3A_631, %sign3A_638 : i32
      %rem3A_640 = arith.remsi %add3A_409, %jit3A_623 : i32
      %ne3A_641 = arith.constant 0 : i32
      %ne3A_642 = arith.cmpi ne, %rem3A_640, %ne3A_641 : i32
      %and3A_643 = arith.andi %ne3A_639, %ne3A_642 : i1
      %sub3A_644 = arith.constant 1 : i32
      %sub3A_645 = arith.subi %div3A_624, %sub3A_644 : i32
      %select_n3A_646 = arith.select %and3A_643, %sub3A_645, %div3A_624 : i32
      %jit3A_647 = arith.constant 5 : i32
      %eq3A_648 = arith.constant 0 : i32
      %eq3A_649 = arith.cmpi eq, %jit3A_647, %eq3A_648 : i32
      %jit3A_650 = arith.constant 1 : i32
      %select_n3A_651 = arith.select %eq3A_649, %jit3A_650, %jit3A_647 : i32
      %rem3A_652 = arith.remsi %add3A_409, %select_n3A_651 : i32
      %ne3A_653 = arith.constant 0 : i32
      %ne3A_654 = arith.cmpi ne, %rem3A_652, %ne3A_653 : i32
      %lt3A_655 = arith.constant 0 : i32
      %lt3A_656 = arith.cmpi slt, %rem3A_652, %lt3A_655 : i32
      %lt3A_657 = arith.constant 0 : i32
      %lt3A_658 = arith.cmpi slt, %select_n3A_651, %lt3A_657 : i32
      %ne3A_659 = arith.xori %lt3A_656, %lt3A_658 : i1
      %and3A_660 = arith.andi %ne3A_659, %ne3A_654 : i1
      %add3A_661 = arith.addi %rem3A_652, %select_n3A_651 : i32
      %select_n3A_662 = arith.select %and3A_660, %add3A_661, %rem3A_652 : i32
      %mul3A_663 = arith.constant 200 : i32
      %mul3A_664 = arith.muli %select_n3A_662, %mul3A_663 : i32
      %get3A_665 = arith.index_cast %select_n3A_646 : i32 to index
      %get3A_666 = arith.constant 0 : index
      %get3A_667 = tpu.vector_load %arg4[%get3A_665, %get3A_666] {strides = array<i32>} : memref<50x128xi32, #tpu.memory_space<vmem>>, vector<16xi32>,
      %ge3A_668 = vector.broadcast %mul3A_664 : i32 to vector<16xi32>
      %ge3A_669 = arith.cmpi sge, %get3A_667, %ge3A_668 : vector<16xi32>
      %add3A_670 = arith.constant 200 : i32
      %add3A_671 = arith.addi %mul3A_664, %add3A_670 : i32
      %lt3A_672 = vector.broadcast %add3A_671 : i32 to vector<16xi32>
      %lt3A_673 = arith.cmpi slt, %get3A_667, %lt3A_672 : vector<16xi32>
      %and3A_674 = arith.andi %ge3A_669, %lt3A_673 : vector<16xi1>
      %sub3A_675 = vector.broadcast %mul3A_664 : i32 to vector<16xi32>
      %sub3A_676 = arith.subi %get3A_667, %sub3A_675 : vector<16xi32>
      %jit3A_677 = arith.constant 0 : i32
      %jit3A_678 = arith.constant 199 : i32
      %max3A_679 = vector.broadcast %jit3A_677 : i32 to vector<16xi32>
      %max3A_680 = arith.maxsi %max3A_679, %sub3A_676 : vector<16xi32>
      %min3A_681 = vector.broadcast %jit3A_678 : i32 to vector<16xi32>
      %min3A_682 = arith.minsi %min3A_681, %max3A_680 : vector<16xi32>
      %add3A_683 = arith.constant 0 : i32
      %add3A_684 = vector.broadcast %add3A_683 : i32 to vector<16xi32>
      %add3A_685 = arith.addi %iota3A, %add3A_684 : vector<16xi32>
      tpu.vector_store_idx %arg5[%min3A_682, %add3A_685], %broadcast_in_dim3A_5 masked %and3A_674 : memref<200x128xf32, #tpu.memory_space<vmem>>[vector<16xi32>, vector<16xi32>], vector<16xf32>, vector<16xi1>
      %get3A_686 = arith.index_cast %select_n3A_646 : i32 to index
      %get3A_687 = arith.constant 16 : index
      %get3A_688 = tpu.vector_load %arg4[%get3A_686, %get3A_687] {strides = array<i32>} : memref<50x128xi32, #tpu.memory_space<vmem>>, vector<16xi32>,
      %ge3A_689 = vector.broadcast %mul3A_664 : i32 to vector<16xi32>
      %ge3A_690 = arith.cmpi sge, %get3A_688, %ge3A_689 : vector<16xi32>
      %add3A_691 = arith.constant 200 : i32
      %add3A_692 = arith.addi %mul3A_664, %add3A_691 : i32
      %lt3A_693 = vector.broadcast %add3A_692 : i32 to vector<16xi32>
      %lt3A_694 = arith.cmpi slt, %get3A_688, %lt3A_693 : vector<16xi32>
      %and3A_695 = arith.andi %ge3A_690, %lt3A_694 : vector<16xi1>
      %sub3A_696 = vector.broadcast %mul3A_664 : i32 to vector<16xi32>
      %sub3A_697 = arith.subi %get3A_688, %sub3A_696 : vector<16xi32>
      %jit3A_698 = arith.constant 0 : i32
      %jit3A_699 = arith.constant 199 : i32
      %max3A_700 = vector.broadcast %jit3A_698 : i32 to vector<16xi32>
      %max3A_701 = arith.maxsi %max3A_700, %sub3A_697 : vector<16xi32>
      %min3A_702 = vector.broadcast %jit3A_699 : i32 to vector<16xi32>
      %min3A_703 = arith.minsi %min3A_702, %max3A_701 : vector<16xi32>
      %add3A_704 = arith.constant 16 : i32
      %add3A_705 = vector.broadcast %add3A_704 : i32 to vector<16xi32>
      %add3A_706 = arith.addi %iota3A, %add3A_705 : vector<16xi32>
      tpu.vector_store_idx %arg5[%min3A_703, %add3A_706], %broadcast_in_dim3A_5 masked %and3A_695 : memref<200x128xf32, #tpu.memory_space<vmem>>[vector<16xi32>, vector<16xi32>], vector<16xf32>, vector<16xi1>
      %get3A_707 = arith.index_cast %select_n3A_646 : i32 to index
      %get3A_708 = arith.constant 32 : index
      %get3A_709 = tpu.vector_load %arg4[%get3A_707, %get3A_708] {strides = array<i32>} : memref<50x128xi32, #tpu.memory_space<vmem>>, vector<16xi32>,
      %ge3A_710 = vector.broadcast %mul3A_664 : i32 to vector<16xi32>
      %ge3A_711 = arith.cmpi sge, %get3A_709, %ge3A_710 : vector<16xi32>
      %add3A_712 = arith.constant 200 : i32
      %add3A_713 = arith.addi %mul3A_664, %add3A_712 : i32
      %lt3A_714 = vector.broadcast %add3A_713 : i32 to vector<16xi32>
      %lt3A_715 = arith.cmpi slt, %get3A_709, %lt3A_714 : vector<16xi32>
      %and3A_716 = arith.andi %ge3A_711, %lt3A_715 : vector<16xi1>
      %sub3A_717 = vector.broadcast %mul3A_664 : i32 to vector<16xi32>
      %sub3A_718 = arith.subi %get3A_709, %sub3A_717 : vector<16xi32>
      %jit3A_719 = arith.constant 0 : i32
      %jit3A_720 = arith.constant 199 : i32
      %max3A_721 = vector.broadcast %jit3A_719 : i32 to vector<16xi32>
      %max3A_722 = arith.maxsi %max3A_721, %sub3A_718 : vector<16xi32>
      %min3A_723 = vector.broadcast %jit3A_720 : i32 to vector<16xi32>
      %min3A_724 = arith.minsi %min3A_723, %max3A_722 : vector<16xi32>
      %add3A_725 = arith.constant 32 : i32
      %add3A_726 = vector.broadcast %add3A_725 : i32 to vector<16xi32>
      %add3A_727 = arith.addi %iota3A, %add3A_726 : vector<16xi32>
      tpu.vector_store_idx %arg5[%min3A_724, %add3A_727], %broadcast_in_dim3A_5 masked %and3A_716 : memref<200x128xf32, #tpu.memory_space<vmem>>[vector<16xi32>, vector<16xi32>], vector<16xf32>, vector<16xi1>
      %get3A_728 = arith.index_cast %select_n3A_646 : i32 to index
      %get3A_729 = arith.constant 48 : index
      %get3A_730 = tpu.vector_load %arg4[%get3A_728, %get3A_729] {strides = array<i32>} : memref<50x128xi32, #tpu.memory_space<vmem>>, vector<16xi32>,
      %ge3A_731 = vector.broadcast %mul3A_664 : i32 to vector<16xi32>
      %ge3A_732 = arith.cmpi sge, %get3A_730, %ge3A_731 : vector<16xi32>
      %add3A_733 = arith.constant 200 : i32
      %add3A_734 = arith.addi %mul3A_664, %add3A_733 : i32
      %lt3A_735 = vector.broadcast %add3A_734 : i32 to vector<16xi32>
      %lt3A_736 = arith.cmpi slt, %get3A_730, %lt3A_735 : vector<16xi32>
      %and3A_737 = arith.andi %ge3A_732, %lt3A_736 : vector<16xi1>
      %sub3A_738 = vector.broadcast %mul3A_664 : i32 to vector<16xi32>
      %sub3A_739 = arith.subi %get3A_730, %sub3A_738 : vector<16xi32>
      %jit3A_740 = arith.constant 0 : i32
      %jit3A_741 = arith.constant 199 : i32
      %max3A_742 = vector.broadcast %jit3A_740 : i32 to vector<16xi32>
      %max3A_743 = arith.maxsi %max3A_742, %sub3A_739 : vector<16xi32>
      %min3A_744 = vector.broadcast %jit3A_741 : i32 to vector<16xi32>
      %min3A_745 = arith.minsi %min3A_744, %max3A_743 : vector<16xi32>
      %add3A_746 = arith.constant 48 : i32
      %add3A_747 = vector.broadcast %add3A_746 : i32 to vector<16xi32>
      %add3A_748 = arith.addi %iota3A, %add3A_747 : vector<16xi32>
      tpu.vector_store_idx %arg5[%min3A_745, %add3A_748], %broadcast_in_dim3A_5 masked %and3A_737 : memref<200x128xf32, #tpu.memory_space<vmem>>[vector<16xi32>, vector<16xi32>], vector<16xf32>, vector<16xi1>
      %get3A_749 = arith.index_cast %select_n3A_646 : i32 to index
      %get3A_750 = arith.constant 64 : index
      %get3A_751 = tpu.vector_load %arg4[%get3A_749, %get3A_750] {strides = array<i32>} : memref<50x128xi32, #tpu.memory_space<vmem>>, vector<16xi32>,
      %ge3A_752 = vector.broadcast %mul3A_664 : i32 to vector<16xi32>
      %ge3A_753 = arith.cmpi sge, %get3A_751, %ge3A_752 : vector<16xi32>
      %add3A_754 = arith.constant 200 : i32
      %add3A_755 = arith.addi %mul3A_664, %add3A_754 : i32
      %lt3A_756 = vector.broadcast %add3A_755 : i32 to vector<16xi32>
      %lt3A_757 = arith.cmpi slt, %get3A_751, %lt3A_756 : vector<16xi32>
      %and3A_758 = arith.andi %ge3A_753, %lt3A_757 : vector<16xi1>
      %sub3A_759 = vector.broadcast %mul3A_664 : i32 to vector<16xi32>
      %sub3A_760 = arith.subi %get3A_751, %sub3A_759 : vector<16xi32>
      %jit3A_761 = arith.constant 0 : i32
      %jit3A_762 = arith.constant 199 : i32
      %max3A_763 = vector.broadcast %jit3A_761 : i32 to vector<16xi32>
      %max3A_764 = arith.maxsi %max3A_763, %sub3A_760 : vector<16xi32>
      %min3A_765 = vector.broadcast %jit3A_762 : i32 to vector<16xi32>
      %min3A_766 = arith.minsi %min3A_765, %max3A_764 : vector<16xi32>
      %add3A_767 = arith.constant 64 : i32
      %add3A_768 = vector.broadcast %add3A_767 : i32 to vector<16xi32>
      %add3A_769 = arith.addi %iota3A, %add3A_768 : vector<16xi32>
      tpu.vector_store_idx %arg5[%min3A_766, %add3A_769], %broadcast_in_dim3A_5 masked %and3A_758 : memref<200x128xf32, #tpu.memory_space<vmem>>[vector<16xi32>, vector<16xi32>], vector<16xf32>, vector<16xi1>
      %get3A_770 = arith.index_cast %select_n3A_646 : i32 to index
      %get3A_771 = arith.constant 80 : index
      %get3A_772 = tpu.vector_load %arg4[%get3A_770, %get3A_771] {strides = array<i32>} : memref<50x128xi32, #tpu.memory_space<vmem>>, vector<16xi32>,
      %ge3A_773 = vector.broadcast %mul3A_664 : i32 to vector<16xi32>
      %ge3A_774 = arith.cmpi sge, %get3A_772, %ge3A_773 : vector<16xi32>
      %add3A_775 = arith.constant 200 : i32
      %add3A_776 = arith.addi %mul3A_664, %add3A_775 : i32
      %lt3A_777 = vector.broadcast %add3A_776 : i32 to vector<16xi32>
      %lt3A_778 = arith.cmpi slt, %get3A_772, %lt3A_777 : vector<16xi32>
      %and3A_779 = arith.andi %ge3A_774, %lt3A_778 : vector<16xi1>
      %sub3A_780 = vector.broadcast %mul3A_664 : i32 to vector<16xi32>
      %sub3A_781 = arith.subi %get3A_772, %sub3A_780 : vector<16xi32>
      %jit3A_782 = arith.constant 0 : i32
      %jit3A_783 = arith.constant 199 : i32
      %max3A_784 = vector.broadcast %jit3A_782 : i32 to vector<16xi32>
      %max3A_785 = arith.maxsi %max3A_784, %sub3A_781 : vector<16xi32>
      %min3A_786 = vector.broadcast %jit3A_783 : i32 to vector<16xi32>
      %min3A_787 = arith.minsi %min3A_786, %max3A_785 : vector<16xi32>
      %add3A_788 = arith.constant 80 : i32
      %add3A_789 = vector.broadcast %add3A_788 : i32 to vector<16xi32>
      %add3A_790 = arith.addi %iota3A, %add3A_789 : vector<16xi32>
      tpu.vector_store_idx %arg5[%min3A_787, %add3A_790], %broadcast_in_dim3A_5 masked %and3A_779 : memref<200x128xf32, #tpu.memory_space<vmem>>[vector<16xi32>, vector<16xi32>], vector<16xf32>, vector<16xi1>
      %get3A_791 = arith.index_cast %select_n3A_646 : i32 to index
      %get3A_792 = arith.constant 96 : index
      %get3A_793 = tpu.vector_load %arg4[%get3A_791, %get3A_792] {strides = array<i32>} : memref<50x128xi32, #tpu.memory_space<vmem>>, vector<16xi32>,
      %ge3A_794 = vector.broadcast %mul3A_664 : i32 to vector<16xi32>
      %ge3A_795 = arith.cmpi sge, %get3A_793, %ge3A_794 : vector<16xi32>
      %add3A_796 = arith.constant 200 : i32
      %add3A_797 = arith.addi %mul3A_664, %add3A_796 : i32
      %lt3A_798 = vector.broadcast %add3A_797 : i32 to vector<16xi32>
      %lt3A_799 = arith.cmpi slt, %get3A_793, %lt3A_798 : vector<16xi32>
      %and3A_800 = arith.andi %ge3A_795, %lt3A_799 : vector<16xi1>
      %sub3A_801 = vector.broadcast %mul3A_664 : i32 to vector<16xi32>
      %sub3A_802 = arith.subi %get3A_793, %sub3A_801 : vector<16xi32>
      %jit3A_803 = arith.constant 0 : i32
      %jit3A_804 = arith.constant 199 : i32
      %max3A_805 = vector.broadcast %jit3A_803 : i32 to vector<16xi32>
      %max3A_806 = arith.maxsi %max3A_805, %sub3A_802 : vector<16xi32>
      %min3A_807 = vector.broadcast %jit3A_804 : i32 to vector<16xi32>
      %min3A_808 = arith.minsi %min3A_807, %max3A_806 : vector<16xi32>
      %add3A_809 = arith.constant 96 : i32
      %add3A_810 = vector.broadcast %add3A_809 : i32 to vector<16xi32>
      %add3A_811 = arith.addi %iota3A, %add3A_810 : vector<16xi32>
      tpu.vector_store_idx %arg5[%min3A_808, %add3A_811], %broadcast_in_dim3A_5 masked %and3A_800 : memref<200x128xf32, #tpu.memory_space<vmem>>[vector<16xi32>, vector<16xi32>], vector<16xf32>, vector<16xi1>
      %get3A_812 = arith.index_cast %select_n3A_646 : i32 to index
      %get3A_813 = arith.constant 112 : index
      %get3A_814 = tpu.vector_load %arg4[%get3A_812, %get3A_813] {strides = array<i32>} : memref<50x128xi32, #tpu.memory_space<vmem>>, vector<16xi32>,
      %ge3A_815 = vector.broadcast %mul3A_664 : i32 to vector<16xi32>
      %ge3A_816 = arith.cmpi sge, %get3A_814, %ge3A_815 : vector<16xi32>
      %add3A_817 = arith.constant 200 : i32
      %add3A_818 = arith.addi %mul3A_664, %add3A_817 : i32
      %lt3A_819 = vector.broadcast %add3A_818 : i32 to vector<16xi32>
      %lt3A_820 = arith.cmpi slt, %get3A_814, %lt3A_819 : vector<16xi32>
      %and3A_821 = arith.andi %ge3A_816, %lt3A_820 : vector<16xi1>
      %sub3A_822 = vector.broadcast %mul3A_664 : i32 to vector<16xi32>
      %sub3A_823 = arith.subi %get3A_814, %sub3A_822 : vector<16xi32>
      %jit3A_824 = arith.constant 0 : i32
      %jit3A_825 = arith.constant 199 : i32
      %max3A_826 = vector.broadcast %jit3A_824 : i32 to vector<16xi32>
      %max3A_827 = arith.maxsi %max3A_826, %sub3A_823 : vector<16xi32>
      %min3A_828 = vector.broadcast %jit3A_825 : i32 to vector<16xi32>
      %min3A_829 = arith.minsi %min3A_828, %max3A_827 : vector<16xi32>
      %add3A_830 = arith.constant 112 : i32
      %add3A_831 = vector.broadcast %add3A_830 : i32 to vector<16xi32>
      %add3A_832 = arith.addi %iota3A, %add3A_831 : vector<16xi32>
      tpu.vector_store_idx %arg5[%min3A_829, %add3A_832], %broadcast_in_dim3A_5 masked %and3A_821 : memref<200x128xf32, #tpu.memory_space<vmem>>[vector<16xi32>, vector<16xi32>], vector<16xf32>, vector<16xi1>
      %jit3A_833 = arith.constant 5 : i32
      %div3A_834 = arith.divsi %add3A_409, %jit3A_833 : i32
      %sign3A_835 = arith.constant 0 : i32
      %sign3A_836 = arith.cmpi sgt, %add3A_409, %sign3A_835 : i32
      %sign3A_837 = arith.extui %sign3A_836 : i1 to i32
      %sign3A_838 = arith.constant 0 : i32
      %sign3A_839 = arith.cmpi slt, %add3A_409, %sign3A_838 : i32
      %sign3A_840 = arith.extui %sign3A_839 : i1 to i32
      %sign3A_841 = arith.subi %sign3A_837, %sign3A_840 : i32
      %sign3A_842 = arith.constant 0 : i32
      %sign3A_843 = arith.cmpi sgt, %jit3A_833, %sign3A_842 : i32
      %sign3A_844 = arith.extui %sign3A_843 : i1 to i32
      %sign3A_845 = arith.constant 0 : i32
      %sign3A_846 = arith.cmpi slt, %jit3A_833, %sign3A_845 : i32
      %sign3A_847 = arith.extui %sign3A_846 : i1 to i32
      %sign3A_848 = arith.subi %sign3A_844, %sign3A_847 : i32
      %ne3A_849 = arith.cmpi ne, %sign3A_841, %sign3A_848 : i32
      %rem3A_850 = arith.remsi %add3A_409, %jit3A_833 : i32
      %ne3A_851 = arith.constant 0 : i32
      %ne3A_852 = arith.cmpi ne, %rem3A_850, %ne3A_851 : i32
      %and3A_853 = arith.andi %ne3A_849, %ne3A_852 : i1
      %sub3A_854 = arith.constant 1 : i32
      %sub3A_855 = arith.subi %div3A_834, %sub3A_854 : i32
      %select_n3A_856 = arith.select %and3A_853, %sub3A_855, %div3A_834 : i32
      %jit3A_857 = arith.constant 5 : i32
      %eq3A_858 = arith.constant 0 : i32
      %eq3A_859 = arith.cmpi eq, %jit3A_857, %eq3A_858 : i32
      %jit3A_860 = arith.constant 1 : i32
      %select_n3A_861 = arith.select %eq3A_859, %jit3A_860, %jit3A_857 : i32
      %rem3A_862 = arith.remsi %add3A_409, %select_n3A_861 : i32
      %ne3A_863 = arith.constant 0 : i32
      %ne3A_864 = arith.cmpi ne, %rem3A_862, %ne3A_863 : i32
      %lt3A_865 = arith.constant 0 : i32
      %lt3A_866 = arith.cmpi slt, %rem3A_862, %lt3A_865 : i32
      %lt3A_867 = arith.constant 0 : i32
      %lt3A_868 = arith.cmpi slt, %select_n3A_861, %lt3A_867 : i32
      %ne3A_869 = arith.xori %lt3A_866, %lt3A_868 : i1
      %and3A_870 = arith.andi %ne3A_869, %ne3A_864 : i1
      %add3A_871 = arith.addi %rem3A_862, %select_n3A_861 : i32
      %select_n3A_872 = arith.select %and3A_870, %add3A_871, %rem3A_862 : i32
      %mul3A_873 = arith.constant 200 : i32
      %mul3A_874 = arith.muli %select_n3A_872, %mul3A_873 : i32
      %multiple_of3A_875 = tpu.assume_multiple %mul3A_874, 8 : i32
      %dma_start3A_876 = tpu.memref_slice %arg3[%select_n3A_856, %multiple_of3A_875, %mul3A_2] : memref<50x1000x4096xf32, #tpu.memory_space<hbm>> -> memref<1x200x128xf32, #tpu.memory_space<hbm>>
      %dma_start3A_877 = tpu.memref_squeeze %dma_start3A_876 : memref<1x200x128xf32, #tpu.memory_space<hbm>> -> memref<200x128xf32, #tpu.memory_space<hbm>>
      %dma_start3A_878 = tpu.memref_slice %arg3[%select_n3A_856, %multiple_of3A_875, %mul3A_2] : memref<50x1000x4096xf32, #tpu.memory_space<hbm>> -> memref<1x200x128xf32, #tpu.memory_space<hbm>>
      %dma_start3A_879 = tpu.memref_squeeze %dma_start3A_878 : memref<1x200x128xf32, #tpu.memory_space<hbm>> -> memref<200x128xf32, #tpu.memory_space<hbm>>
      tpu.enqueue_dma source(%arg5 : memref<200x128xf32, #tpu.memory_space<vmem>>) target(%dma_start3A_879 : memref<200x128xf32, #tpu.memory_space<hbm>>) target_semaphore(%arg7 : memref<!tpu.dma_semaphore, #tpu.memory_space<semaphore_mem>>)
      %mul3A_880 = arith.constant 2 : i32
      %mul3A_881 = arith.muli %mul3A_880, %scan3A_404 : i32
      %add3A_882 = arith.constant 3 : i32
      %add3A_883 = arith.addi %mul3A_881, %add3A_882 : i32
      %dma_wait3A_884 = arith.constant 0 : i32
      %dma_wait3A_885 = arith.constant 0 : i32
      %dma_wait3A_886 = tpu.memref_slice %arg3[%dma_wait3A_884, %dma_wait3A_885, %mul3A_2] : memref<50x1000x4096xf32, #tpu.memory_space<hbm>> -> memref<1x200x128xf32, #tpu.memory_space<hbm>>
      %dma_wait3A_887 = tpu.memref_squeeze %dma_wait3A_886 : memref<1x200x128xf32, #tpu.memory_space<hbm>> -> memref<200x128xf32, #tpu.memory_space<hbm>>
      %dma_wait3A_888 = arith.constant 0 : i32
      %dma_wait3A_889 = tpu.memref_slice %arg3[%dma_wait3A_884, %dma_wait3A_888, %mul3A_2] : memref<50x1000x4096xf32, #tpu.memory_space<hbm>> -> memref<1x200x128xf32, #tpu.memory_space<hbm>>
      %dma_wait3A_890 = tpu.memref_squeeze %dma_wait3A_889 : memref<1x200x128xf32, #tpu.memory_space<hbm>> -> memref<200x128xf32, #tpu.memory_space<hbm>>
      tpu.wait_dma2 semaphore(%arg8 : memref<!tpu.dma_semaphore, #tpu.memory_space<semaphore_mem>>) src(%arg6 : memref<200x128xf32, #tpu.memory_space<vmem>>) dst(%dma_wait3A_890 : memref<200x128xf32, #tpu.memory_space<hbm>>)
      %sub3A_891 = arith.constant 2 : i32
      %sub3A_892 = arith.subi %add3A_883, %sub3A_891 : i32
      %jit3A_893 = arith.constant 5 : i32
      %div3A_894 = arith.divsi %sub3A_892, %jit3A_893 : i32
      %sign3A_895 = arith.constant 0 : i32
      %sign3A_896 = arith.cmpi sgt, %sub3A_892, %sign3A_895 : i32
      %sign3A_897 = arith.extui %sign3A_896 : i1 to i32
      %sign3A_898 = arith.constant 0 : i32
      %sign3A_899 = arith.cmpi slt, %sub3A_892, %sign3A_898 : i32
      %sign3A_900 = arith.extui %sign3A_899 : i1 to i32
      %sign3A_901 = arith.subi %sign3A_897, %sign3A_900 : i32
      %sign3A_902 = arith.constant 0 : i32
      %sign3A_903 = arith.cmpi sgt, %jit3A_893, %sign3A_902 : i32
      %sign3A_904 = arith.extui %sign3A_903 : i1 to i32
      %sign3A_905 = arith.constant 0 : i32
      %sign3A_906 = arith.cmpi slt, %jit3A_893, %sign3A_905 : i32
      %sign3A_907 = arith.extui %sign3A_906 : i1 to i32
      %sign3A_908 = arith.subi %sign3A_904, %sign3A_907 : i32
      %ne3A_909 = arith.cmpi ne, %sign3A_901, %sign3A_908 : i32
      %rem3A_910 = arith.remsi %sub3A_892, %jit3A_893 : i32
      %ne3A_911 = arith.constant 0 : i32
      %ne3A_912 = arith.cmpi ne, %rem3A_910, %ne3A_911 : i32
      %and3A_913 = arith.andi %ne3A_909, %ne3A_912 : i1
      %sub3A_914 = arith.constant 1 : i32
      %sub3A_915 = arith.subi %div3A_894, %sub3A_914 : i32
      %select_n3A_916 = arith.select %and3A_913, %sub3A_915, %div3A_894 : i32
      %jit3A_917 = arith.constant 5 : i32
      %eq3A_918 = arith.constant 0 : i32
      %eq3A_919 = arith.cmpi eq, %jit3A_917, %eq3A_918 : i32
      %jit3A_920 = arith.constant 1 : i32
      %select_n3A_921 = arith.select %eq3A_919, %jit3A_920, %jit3A_917 : i32
      %rem3A_922 = arith.remsi %sub3A_892, %select_n3A_921 : i32
      %ne3A_923 = arith.constant 0 : i32
      %ne3A_924 = arith.cmpi ne, %rem3A_922, %ne3A_923 : i32
      %lt3A_925 = arith.constant 0 : i32
      %lt3A_926 = arith.cmpi slt, %rem3A_922, %lt3A_925 : i32
      %lt3A_927 = arith.constant 0 : i32
      %lt3A_928 = arith.cmpi slt, %select_n3A_921, %lt3A_927 : i32
      %ne3A_929 = arith.xori %lt3A_926, %lt3A_928 : i1
      %and3A_930 = arith.andi %ne3A_929, %ne3A_924 : i1
      %add3A_931 = arith.addi %rem3A_922, %select_n3A_921 : i32
      %select_n3A_932 = arith.select %and3A_930, %add3A_931, %rem3A_922 : i32
      %mul3A_933 = arith.constant 200 : i32
      %mul3A_934 = arith.muli %select_n3A_932, %mul3A_933 : i32
      %get3A_935 = arith.index_cast %select_n3A_916 : i32 to index
      %get3A_936 = arith.constant 0 : index
      %get3A_937 = tpu.vector_load %arg4[%get3A_935, %get3A_936] {strides = array<i32>} : memref<50x128xi32, #tpu.memory_space<vmem>>, vector<16xi32>,
      %ge3A_938 = vector.broadcast %mul3A_934 : i32 to vector<16xi32>
      %ge3A_939 = arith.cmpi sge, %get3A_937, %ge3A_938 : vector<16xi32>
      %add3A_940 = arith.constant 200 : i32
      %add3A_941 = arith.addi %mul3A_934, %add3A_940 : i32
      %lt3A_942 = vector.broadcast %add3A_941 : i32 to vector<16xi32>
      %lt3A_943 = arith.cmpi slt, %get3A_937, %lt3A_942 : vector<16xi32>
      %and3A_944 = arith.andi %ge3A_939, %lt3A_943 : vector<16xi1>
      %sub3A_945 = vector.broadcast %mul3A_934 : i32 to vector<16xi32>
      %sub3A_946 = arith.subi %get3A_937, %sub3A_945 : vector<16xi32>
      %jit3A_947 = arith.constant 0 : i32
      %jit3A_948 = arith.constant 199 : i32
      %max3A_949 = vector.broadcast %jit3A_947 : i32 to vector<16xi32>
      %max3A_950 = arith.maxsi %max3A_949, %sub3A_946 : vector<16xi32>
      %min3A_951 = vector.broadcast %jit3A_948 : i32 to vector<16xi32>
      %min3A_952 = arith.minsi %min3A_951, %max3A_950 : vector<16xi32>
      %add3A_953 = arith.constant 0 : i32
      %add3A_954 = vector.broadcast %add3A_953 : i32 to vector<16xi32>
      %add3A_955 = arith.addi %iota3A, %add3A_954 : vector<16xi32>
      tpu.vector_store_idx %arg6[%min3A_952, %add3A_955], %broadcast_in_dim3A_3 masked %and3A_944 : memref<200x128xf32, #tpu.memory_space<vmem>>[vector<16xi32>, vector<16xi32>], vector<16xf32>, vector<16xi1>
      %get3A_956 = arith.index_cast %select_n3A_916 : i32 to index
      %get3A_957 = arith.constant 16 : index
      %get3A_958 = tpu.vector_load %arg4[%get3A_956, %get3A_957] {strides = array<i32>} : memref<50x128xi32, #tpu.memory_space<vmem>>, vector<16xi32>,
      %ge3A_959 = vector.broadcast %mul3A_934 : i32 to vector<16xi32>
      %ge3A_960 = arith.cmpi sge, %get3A_958, %ge3A_959 : vector<16xi32>
      %add3A_961 = arith.constant 200 : i32
      %add3A_962 = arith.addi %mul3A_934, %add3A_961 : i32
      %lt3A_963 = vector.broadcast %add3A_962 : i32 to vector<16xi32>
      %lt3A_964 = arith.cmpi slt, %get3A_958, %lt3A_963 : vector<16xi32>
      %and3A_965 = arith.andi %ge3A_960, %lt3A_964 : vector<16xi1>
      %sub3A_966 = vector.broadcast %mul3A_934 : i32 to vector<16xi32>
      %sub3A_967 = arith.subi %get3A_958, %sub3A_966 : vector<16xi32>
      %jit3A_968 = arith.constant 0 : i32
      %jit3A_969 = arith.constant 199 : i32
      %max3A_970 = vector.broadcast %jit3A_968 : i32 to vector<16xi32>
      %max3A_971 = arith.maxsi %max3A_970, %sub3A_967 : vector<16xi32>
      %min3A_972 = vector.broadcast %jit3A_969 : i32 to vector<16xi32>
      %min3A_973 = arith.minsi %min3A_972, %max3A_971 : vector<16xi32>
      %add3A_974 = arith.constant 16 : i32
      %add3A_975 = vector.broadcast %add3A_974 : i32 to vector<16xi32>
      %add3A_976 = arith.addi %iota3A, %add3A_975 : vector<16xi32>
      tpu.vector_store_idx %arg6[%min3A_973, %add3A_976], %broadcast_in_dim3A_3 masked %and3A_965 : memref<200x128xf32, #tpu.memory_space<vmem>>[vector<16xi32>, vector<16xi32>], vector<16xf32>, vector<16xi1>
      %get3A_977 = arith.index_cast %select_n3A_916 : i32 to index
      %get3A_978 = arith.constant 32 : index
      %get3A_979 = tpu.vector_load %arg4[%get3A_977, %get3A_978] {strides = array<i32>} : memref<50x128xi32, #tpu.memory_space<vmem>>, vector<16xi32>,
      %ge3A_980 = vector.broadcast %mul3A_934 : i32 to vector<16xi32>
      %ge3A_981 = arith.cmpi sge, %get3A_979, %ge3A_980 : vector<16xi32>
      %add3A_982 = arith.constant 200 : i32
      %add3A_983 = arith.addi %mul3A_934, %add3A_982 : i32
      %lt3A_984 = vector.broadcast %add3A_983 : i32 to vector<16xi32>
      %lt3A_985 = arith.cmpi slt, %get3A_979, %lt3A_984 : vector<16xi32>
      %and3A_986 = arith.andi %ge3A_981, %lt3A_985 : vector<16xi1>
      %sub3A_987 = vector.broadcast %mul3A_934 : i32 to vector<16xi32>
      %sub3A_988 = arith.subi %get3A_979, %sub3A_987 : vector<16xi32>
      %jit3A_989 = arith.constant 0 : i32
      %jit3A_990 = arith.constant 199 : i32
      %max3A_991 = vector.broadcast %jit3A_989 : i32 to vector<16xi32>
      %max3A_992 = arith.maxsi %max3A_991, %sub3A_988 : vector<16xi32>
      %min3A_993 = vector.broadcast %jit3A_990 : i32 to vector<16xi32>
      %min3A_994 = arith.minsi %min3A_993, %max3A_992 : vector<16xi32>
      %add3A_995 = arith.constant 32 : i32
      %add3A_996 = vector.broadcast %add3A_995 : i32 to vector<16xi32>
      %add3A_997 = arith.addi %iota3A, %add3A_996 : vector<16xi32>
      tpu.vector_store_idx %arg6[%min3A_994, %add3A_997], %broadcast_in_dim3A_3 masked %and3A_986 : memref<200x128xf32, #tpu.memory_space<vmem>>[vector<16xi32>, vector<16xi32>], vector<16xf32>, vector<16xi1>
      %get3A_998 = arith.index_cast %select_n3A_916 : i32 to index
      %get3A_999 = arith.constant 48 : index
      %get3A_1000 = tpu.vector_load %arg4[%get3A_998, %get3A_999] {strides = array<i32>} : memref<50x128xi32, #tpu.memory_space<vmem>>, vector<16xi32>,
      %ge3A_1001 = vector.broadcast %mul3A_934 : i32 to vector<16xi32>
      %ge3A_1002 = arith.cmpi sge, %get3A_1000, %ge3A_1001 : vector<16xi32>
      %add3A_1003 = arith.constant 200 : i32
      %add3A_1004 = arith.addi %mul3A_934, %add3A_1003 : i32
      %lt3A_1005 = vector.broadcast %add3A_1004 : i32 to vector<16xi32>
      %lt3A_1006 = arith.cmpi slt, %get3A_1000, %lt3A_1005 : vector<16xi32>
      %and3A_1007 = arith.andi %ge3A_1002, %lt3A_1006 : vector<16xi1>
      %sub3A_1008 = vector.broadcast %mul3A_934 : i32 to vector<16xi32>
      %sub3A_1009 = arith.subi %get3A_1000, %sub3A_1008 : vector<16xi32>
      %jit3A_1010 = arith.constant 0 : i32
      %jit3A_1011 = arith.constant 199 : i32
      %max3A_1012 = vector.broadcast %jit3A_1010 : i32 to vector<16xi32>
      %max3A_1013 = arith.maxsi %max3A_1012, %sub3A_1009 : vector<16xi32>
      %min3A_1014 = vector.broadcast %jit3A_1011 : i32 to vector<16xi32>
      %min3A_1015 = arith.minsi %min3A_1014, %max3A_1013 : vector<16xi32>
      %add3A_1016 = arith.constant 48 : i32
      %add3A_1017 = vector.broadcast %add3A_1016 : i32 to vector<16xi32>
      %add3A_1018 = arith.addi %iota3A, %add3A_1017 : vector<16xi32>
      tpu.vector_store_idx %arg6[%min3A_1015, %add3A_1018], %broadcast_in_dim3A_3 masked %and3A_1007 : memref<200x128xf32, #tpu.memory_space<vmem>>[vector<16xi32>, vector<16xi32>], vector<16xf32>, vector<16xi1>
      %get3A_1019 = arith.index_cast %select_n3A_916 : i32 to index
      %get3A_1020 = arith.constant 64 : index
      %get3A_1021 = tpu.vector_load %arg4[%get3A_1019, %get3A_1020] {strides = array<i32>} : memref<50x128xi32, #tpu.memory_space<vmem>>, vector<16xi32>,
      %ge3A_1022 = vector.broadcast %mul3A_934 : i32 to vector<16xi32>
      %ge3A_1023 = arith.cmpi sge, %get3A_1021, %ge3A_1022 : vector<16xi32>
      %add3A_1024 = arith.constant 200 : i32
      %add3A_1025 = arith.addi %mul3A_934, %add3A_1024 : i32
      %lt3A_1026 = vector.broadcast %add3A_1025 : i32 to vector<16xi32>
      %lt3A_1027 = arith.cmpi slt, %get3A_1021, %lt3A_1026 : vector<16xi32>
      %and3A_1028 = arith.andi %ge3A_1023, %lt3A_1027 : vector<16xi1>
      %sub3A_1029 = vector.broadcast %mul3A_934 : i32 to vector<16xi32>
      %sub3A_1030 = arith.subi %get3A_1021, %sub3A_1029 : vector<16xi32>
      %jit3A_1031 = arith.constant 0 : i32
      %jit3A_1032 = arith.constant 199 : i32
      %max3A_1033 = vector.broadcast %jit3A_1031 : i32 to vector<16xi32>
      %max3A_1034 = arith.maxsi %max3A_1033, %sub3A_1030 : vector<16xi32>
      %min3A_1035 = vector.broadcast %jit3A_1032 : i32 to vector<16xi32>
      %min3A_1036 = arith.minsi %min3A_1035, %max3A_1034 : vector<16xi32>
      %add3A_1037 = arith.constant 64 : i32
      %add3A_1038 = vector.broadcast %add3A_1037 : i32 to vector<16xi32>
      %add3A_1039 = arith.addi %iota3A, %add3A_1038 : vector<16xi32>
      tpu.vector_store_idx %arg6[%min3A_1036, %add3A_1039], %broadcast_in_dim3A_3 masked %and3A_1028 : memref<200x128xf32, #tpu.memory_space<vmem>>[vector<16xi32>, vector<16xi32>], vector<16xf32>, vector<16xi1>
      %get3A_1040 = arith.index_cast %select_n3A_916 : i32 to index
      %get3A_1041 = arith.constant 80 : index
      %get3A_1042 = tpu.vector_load %arg4[%get3A_1040, %get3A_1041] {strides = array<i32>} : memref<50x128xi32, #tpu.memory_space<vmem>>, vector<16xi32>,
      %ge3A_1043 = vector.broadcast %mul3A_934 : i32 to vector<16xi32>
      %ge3A_1044 = arith.cmpi sge, %get3A_1042, %ge3A_1043 : vector<16xi32>
      %add3A_1045 = arith.constant 200 : i32
      %add3A_1046 = arith.addi %mul3A_934, %add3A_1045 : i32
      %lt3A_1047 = vector.broadcast %add3A_1046 : i32 to vector<16xi32>
      %lt3A_1048 = arith.cmpi slt, %get3A_1042, %lt3A_1047 : vector<16xi32>
      %and3A_1049 = arith.andi %ge3A_1044, %lt3A_1048 : vector<16xi1>
      %sub3A_1050 = vector.broadcast %mul3A_934 : i32 to vector<16xi32>
      %sub3A_1051 = arith.subi %get3A_1042, %sub3A_1050 : vector<16xi32>
      %jit3A_1052 = arith.constant 0 : i32
      %jit3A_1053 = arith.constant 199 : i32
      %max3A_1054 = vector.broadcast %jit3A_1052 : i32 to vector<16xi32>
      %max3A_1055 = arith.maxsi %max3A_1054, %sub3A_1051 : vector<16xi32>
      %min3A_1056 = vector.broadcast %jit3A_1053 : i32 to vector<16xi32>
      %min3A_1057 = arith.minsi %min3A_1056, %max3A_1055 : vector<16xi32>
      %add3A_1058 = arith.constant 80 : i32
      %add3A_1059 = vector.broadcast %add3A_1058 : i32 to vector<16xi32>
      %add3A_1060 = arith.addi %iota3A, %add3A_1059 : vector<16xi32>
      tpu.vector_store_idx %arg6[%min3A_1057, %add3A_1060], %broadcast_in_dim3A_3 masked %and3A_1049 : memref<200x128xf32, #tpu.memory_space<vmem>>[vector<16xi32>, vector<16xi32>], vector<16xf32>, vector<16xi1>
      %get3A_1061 = arith.index_cast %select_n3A_916 : i32 to index
      %get3A_1062 = arith.constant 96 : index
      %get3A_1063 = tpu.vector_load %arg4[%get3A_1061, %get3A_1062] {strides = array<i32>} : memref<50x128xi32, #tpu.memory_space<vmem>>, vector<16xi32>,
      %ge3A_1064 = vector.broadcast %mul3A_934 : i32 to vector<16xi32>
      %ge3A_1065 = arith.cmpi sge, %get3A_1063, %ge3A_1064 : vector<16xi32>
      %add3A_1066 = arith.constant 200 : i32
      %add3A_1067 = arith.addi %mul3A_934, %add3A_1066 : i32
      %lt3A_1068 = vector.broadcast %add3A_1067 : i32 to vector<16xi32>
      %lt3A_1069 = arith.cmpi slt, %get3A_1063, %lt3A_1068 : vector<16xi32>
      %and3A_1070 = arith.andi %ge3A_1065, %lt3A_1069 : vector<16xi1>
      %sub3A_1071 = vector.broadcast %mul3A_934 : i32 to vector<16xi32>
      %sub3A_1072 = arith.subi %get3A_1063, %sub3A_1071 : vector<16xi32>
      %jit3A_1073 = arith.constant 0 : i32
      %jit3A_1074 = arith.constant 199 : i32
      %max3A_1075 = vector.broadcast %jit3A_1073 : i32 to vector<16xi32>
      %max3A_1076 = arith.maxsi %max3A_1075, %sub3A_1072 : vector<16xi32>
      %min3A_1077 = vector.broadcast %jit3A_1074 : i32 to vector<16xi32>
      %min3A_1078 = arith.minsi %min3A_1077, %max3A_1076 : vector<16xi32>
      %add3A_1079 = arith.constant 96 : i32
      %add3A_1080 = vector.broadcast %add3A_1079 : i32 to vector<16xi32>
      %add3A_1081 = arith.addi %iota3A, %add3A_1080 : vector<16xi32>
      tpu.vector_store_idx %arg6[%min3A_1078, %add3A_1081], %broadcast_in_dim3A_3 masked %and3A_1070 : memref<200x128xf32, #tpu.memory_space<vmem>>[vector<16xi32>, vector<16xi32>], vector<16xf32>, vector<16xi1>
      %get3A_1082 = arith.index_cast %select_n3A_916 : i32 to index
      %get3A_1083 = arith.constant 112 : index
      %get3A_1084 = tpu.vector_load %arg4[%get3A_1082, %get3A_1083] {strides = array<i32>} : memref<50x128xi32, #tpu.memory_space<vmem>>, vector<16xi32>,
      %ge3A_1085 = vector.broadcast %mul3A_934 : i32 to vector<16xi32>
      %ge3A_1086 = arith.cmpi sge, %get3A_1084, %ge3A_1085 : vector<16xi32>
      %add3A_1087 = arith.constant 200 : i32
      %add3A_1088 = arith.addi %mul3A_934, %add3A_1087 : i32
      %lt3A_1089 = vector.broadcast %add3A_1088 : i32 to vector<16xi32>
      %lt3A_1090 = arith.cmpi slt, %get3A_1084, %lt3A_1089 : vector<16xi32>
      %and3A_1091 = arith.andi %ge3A_1086, %lt3A_1090 : vector<16xi1>
      %sub3A_1092 = vector.broadcast %mul3A_934 : i32 to vector<16xi32>
      %sub3A_1093 = arith.subi %get3A_1084, %sub3A_1092 : vector<16xi32>
      %jit3A_1094 = arith.constant 0 : i32
      %jit3A_1095 = arith.constant 199 : i32
      %max3A_1096 = vector.broadcast %jit3A_1094 : i32 to vector<16xi32>
      %max3A_1097 = arith.maxsi %max3A_1096, %sub3A_1093 : vector<16xi32>
      %min3A_1098 = vector.broadcast %jit3A_1095 : i32 to vector<16xi32>
      %min3A_1099 = arith.minsi %min3A_1098, %max3A_1097 : vector<16xi32>
      %add3A_1100 = arith.constant 112 : i32
      %add3A_1101 = vector.broadcast %add3A_1100 : i32 to vector<16xi32>
      %add3A_1102 = arith.addi %iota3A, %add3A_1101 : vector<16xi32>
      tpu.vector_store_idx %arg6[%min3A_1099, %add3A_1102], %broadcast_in_dim3A_3 masked %and3A_1091 : memref<200x128xf32, #tpu.memory_space<vmem>>[vector<16xi32>, vector<16xi32>], vector<16xf32>, vector<16xi1>
      %jit3A_1103 = arith.constant 5 : i32
      %div3A_1104 = arith.divsi %add3A_883, %jit3A_1103 : i32
      %sign3A_1105 = arith.constant 0 : i32
      %sign3A_1106 = arith.cmpi sgt, %add3A_883, %sign3A_1105 : i32
      %sign3A_1107 = arith.extui %sign3A_1106 : i1 to i32
      %sign3A_1108 = arith.constant 0 : i32
      %sign3A_1109 = arith.cmpi slt, %add3A_883, %sign3A_1108 : i32
      %sign3A_1110 = arith.extui %sign3A_1109 : i1 to i32
      %sign3A_1111 = arith.subi %sign3A_1107, %sign3A_1110 : i32
      %sign3A_1112 = arith.constant 0 : i32
      %sign3A_1113 = arith.cmpi sgt, %jit3A_1103, %sign3A_1112 : i32
      %sign3A_1114 = arith.extui %sign3A_1113 : i1 to i32
      %sign3A_1115 = arith.constant 0 : i32
      %sign3A_1116 = arith.cmpi slt, %jit3A_1103, %sign3A_1115 : i32
      %sign3A_1117 = arith.extui %sign3A_1116 : i1 to i32
      %sign3A_1118 = arith.subi %sign3A_1114, %sign3A_1117 : i32
      %ne3A_1119 = arith.cmpi ne, %sign3A_1111, %sign3A_1118 : i32
      %rem3A_1120 = arith.remsi %add3A_883, %jit3A_1103 : i32
      %ne3A_1121 = arith.constant 0 : i32
      %ne3A_1122 = arith.cmpi ne, %rem3A_1120, %ne3A_1121 : i32
      %and3A_1123 = arith.andi %ne3A_1119, %ne3A_1122 : i1
      %sub3A_1124 = arith.constant 1 : i32
      %sub3A_1125 = arith.subi %div3A_1104, %sub3A_1124 : i32
      %select_n3A_1126 = arith.select %and3A_1123, %sub3A_1125, %div3A_1104 : i32
      %jit3A_1127 = arith.constant 5 : i32
      %eq3A_1128 = arith.constant 0 : i32
      %eq3A_1129 = arith.cmpi eq, %jit3A_1127, %eq3A_1128 : i32
      %jit3A_1130 = arith.constant 1 : i32
      %select_n3A_1131 = arith.select %eq3A_1129, %jit3A_1130, %jit3A_1127 : i32
      %rem3A_1132 = arith.remsi %add3A_883, %select_n3A_1131 : i32
      %ne3A_1133 = arith.constant 0 : i32
      %ne3A_1134 = arith.cmpi ne, %rem3A_1132, %ne3A_1133 : i32
      %lt3A_1135 = arith.constant 0 : i32
      %lt3A_1136 = arith.cmpi slt, %rem3A_1132, %lt3A_1135 : i32
      %lt3A_1137 = arith.constant 0 : i32
      %lt3A_1138 = arith.cmpi slt, %select_n3A_1131, %lt3A_1137 : i32
      %ne3A_1139 = arith.xori %lt3A_1136, %lt3A_1138 : i1
      %and3A_1140 = arith.andi %ne3A_1139, %ne3A_1134 : i1
      %add3A_1141 = arith.addi %rem3A_1132, %select_n3A_1131 : i32
      %select_n3A_1142 = arith.select %and3A_1140, %add3A_1141, %rem3A_1132 : i32
      %mul3A_1143 = arith.constant 200 : i32
      %mul3A_1144 = arith.muli %select_n3A_1142, %mul3A_1143 : i32
      %get3A_1145 = arith.index_cast %select_n3A_1126 : i32 to index
      %get3A_1146 = arith.constant 0 : index
      %get3A_1147 = tpu.vector_load %arg4[%get3A_1145, %get3A_1146] {strides = array<i32>} : memref<50x128xi32, #tpu.memory_space<vmem>>, vector<16xi32>,
      %ge3A_1148 = vector.broadcast %mul3A_1144 : i32 to vector<16xi32>
      %ge3A_1149 = arith.cmpi sge, %get3A_1147, %ge3A_1148 : vector<16xi32>
      %add3A_1150 = arith.constant 200 : i32
      %add3A_1151 = arith.addi %mul3A_1144, %add3A_1150 : i32
      %lt3A_1152 = vector.broadcast %add3A_1151 : i32 to vector<16xi32>
      %lt3A_1153 = arith.cmpi slt, %get3A_1147, %lt3A_1152 : vector<16xi32>
      %and3A_1154 = arith.andi %ge3A_1149, %lt3A_1153 : vector<16xi1>
      %sub3A_1155 = vector.broadcast %mul3A_1144 : i32 to vector<16xi32>
      %sub3A_1156 = arith.subi %get3A_1147, %sub3A_1155 : vector<16xi32>
      %jit3A_1157 = arith.constant 0 : i32
      %jit3A_1158 = arith.constant 199 : i32
      %max3A_1159 = vector.broadcast %jit3A_1157 : i32 to vector<16xi32>
      %max3A_1160 = arith.maxsi %max3A_1159, %sub3A_1156 : vector<16xi32>
      %min3A_1161 = vector.broadcast %jit3A_1158 : i32 to vector<16xi32>
      %min3A_1162 = arith.minsi %min3A_1161, %max3A_1160 : vector<16xi32>
      %add3A_1163 = arith.constant 0 : i32
      %add3A_1164 = vector.broadcast %add3A_1163 : i32 to vector<16xi32>
      %add3A_1165 = arith.addi %iota3A, %add3A_1164 : vector<16xi32>
      tpu.vector_store_idx %arg6[%min3A_1162, %add3A_1165], %broadcast_in_dim3A_5 masked %and3A_1154 : memref<200x128xf32, #tpu.memory_space<vmem>>[vector<16xi32>, vector<16xi32>], vector<16xf32>, vector<16xi1>
      %get3A_1166 = arith.index_cast %select_n3A_1126 : i32 to index
      %get3A_1167 = arith.constant 16 : index
      %get3A_1168 = tpu.vector_load %arg4[%get3A_1166, %get3A_1167] {strides = array<i32>} : memref<50x128xi32, #tpu.memory_space<vmem>>, vector<16xi32>,
      %ge3A_1169 = vector.broadcast %mul3A_1144 : i32 to vector<16xi32>
      %ge3A_1170 = arith.cmpi sge, %get3A_1168, %ge3A_1169 : vector<16xi32>
      %add3A_1171 = arith.constant 200 : i32
      %add3A_1172 = arith.addi %mul3A_1144, %add3A_1171 : i32
      %lt3A_1173 = vector.broadcast %add3A_1172 : i32 to vector<16xi32>
      %lt3A_1174 = arith.cmpi slt, %get3A_1168, %lt3A_1173 : vector<16xi32>
      %and3A_1175 = arith.andi %ge3A_1170, %lt3A_1174 : vector<16xi1>
      %sub3A_1176 = vector.broadcast %mul3A_1144 : i32 to vector<16xi32>
      %sub3A_1177 = arith.subi %get3A_1168, %sub3A_1176 : vector<16xi32>
      %jit3A_1178 = arith.constant 0 : i32
      %jit3A_1179 = arith.constant 199 : i32
      %max3A_1180 = vector.broadcast %jit3A_1178 : i32 to vector<16xi32>
      %max3A_1181 = arith.maxsi %max3A_1180, %sub3A_1177 : vector<16xi32>
      %min3A_1182 = vector.broadcast %jit3A_1179 : i32 to vector<16xi32>
      %min3A_1183 = arith.minsi %min3A_1182, %max3A_1181 : vector<16xi32>
      %add3A_1184 = arith.constant 16 : i32
      %add3A_1185 = vector.broadcast %add3A_1184 : i32 to vector<16xi32>
      %add3A_1186 = arith.addi %iota3A, %add3A_1185 : vector<16xi32>
      tpu.vector_store_idx %arg6[%min3A_1183, %add3A_1186], %broadcast_in_dim3A_5 masked %and3A_1175 : memref<200x128xf32, #tpu.memory_space<vmem>>[vector<16xi32>, vector<16xi32>], vector<16xf32>, vector<16xi1>
      %get3A_1187 = arith.index_cast %select_n3A_1126 : i32 to index
      %get3A_1188 = arith.constant 32 : index
      %get3A_1189 = tpu.vector_load %arg4[%get3A_1187, %get3A_1188] {strides = array<i32>} : memref<50x128xi32, #tpu.memory_space<vmem>>, vector<16xi32>,
      %ge3A_1190 = vector.broadcast %mul3A_1144 : i32 to vector<16xi32>
      %ge3A_1191 = arith.cmpi sge, %get3A_1189, %ge3A_1190 : vector<16xi32>
      %add3A_1192 = arith.constant 200 : i32
      %add3A_1193 = arith.addi %mul3A_1144, %add3A_1192 : i32
      %lt3A_1194 = vector.broadcast %add3A_1193 : i32 to vector<16xi32>
      %lt3A_1195 = arith.cmpi slt, %get3A_1189, %lt3A_1194 : vector<16xi32>
      %and3A_1196 = arith.andi %ge3A_1191, %lt3A_1195 : vector<16xi1>
      %sub3A_1197 = vector.broadcast %mul3A_1144 : i32 to vector<16xi32>
      %sub3A_1198 = arith.subi %get3A_1189, %sub3A_1197 : vector<16xi32>
      %jit3A_1199 = arith.constant 0 : i32
      %jit3A_1200 = arith.constant 199 : i32
      %max3A_1201 = vector.broadcast %jit3A_1199 : i32 to vector<16xi32>
      %max3A_1202 = arith.maxsi %max3A_1201, %sub3A_1198 : vector<16xi32>
      %min3A_1203 = vector.broadcast %jit3A_1200 : i32 to vector<16xi32>
      %min3A_1204 = arith.minsi %min3A_1203, %max3A_1202 : vector<16xi32>
      %add3A_1205 = arith.constant 32 : i32
      %add3A_1206 = vector.broadcast %add3A_1205 : i32 to vector<16xi32>
      %add3A_1207 = arith.addi %iota3A, %add3A_1206 : vector<16xi32>
      tpu.vector_store_idx %arg6[%min3A_1204, %add3A_1207], %broadcast_in_dim3A_5 masked %and3A_1196 : memref<200x128xf32, #tpu.memory_space<vmem>>[vector<16xi32>, vector<16xi32>], vector<16xf32>, vector<16xi1>
      %get3A_1208 = arith.index_cast %select_n3A_1126 : i32 to index
      %get3A_1209 = arith.constant 48 : index
      %get3A_1210 = tpu.vector_load %arg4[%get3A_1208, %get3A_1209] {strides = array<i32>} : memref<50x128xi32, #tpu.memory_space<vmem>>, vector<16xi32>,
      %ge3A_1211 = vector.broadcast %mul3A_1144 : i32 to vector<16xi32>
      %ge3A_1212 = arith.cmpi sge, %get3A_1210, %ge3A_1211 : vector<16xi32>
      %add3A_1213 = arith.constant 200 : i32
      %add3A_1214 = arith.addi %mul3A_1144, %add3A_1213 : i32
      %lt3A_1215 = vector.broadcast %add3A_1214 : i32 to vector<16xi32>
      %lt3A_1216 = arith.cmpi slt, %get3A_1210, %lt3A_1215 : vector<16xi32>
      %and3A_1217 = arith.andi %ge3A_1212, %lt3A_1216 : vector<16xi1>
      %sub3A_1218 = vector.broadcast %mul3A_1144 : i32 to vector<16xi32>
      %sub3A_1219 = arith.subi %get3A_1210, %sub3A_1218 : vector<16xi32>
      %jit3A_1220 = arith.constant 0 : i32
      %jit3A_1221 = arith.constant 199 : i32
      %max3A_1222 = vector.broadcast %jit3A_1220 : i32 to vector<16xi32>
      %max3A_1223 = arith.maxsi %max3A_1222, %sub3A_1219 : vector<16xi32>
      %min3A_1224 = vector.broadcast %jit3A_1221 : i32 to vector<16xi32>
      %min3A_1225 = arith.minsi %min3A_1224, %max3A_1223 : vector<16xi32>
      %add3A_1226 = arith.constant 48 : i32
      %add3A_1227 = vector.broadcast %add3A_1226 : i32 to vector<16xi32>
      %add3A_1228 = arith.addi %iota3A, %add3A_1227 : vector<16xi32>
      tpu.vector_store_idx %arg6[%min3A_1225, %add3A_1228], %broadcast_in_dim3A_5 masked %and3A_1217 : memref<200x128xf32, #tpu.memory_space<vmem>>[vector<16xi32>, vector<16xi32>], vector<16xf32>, vector<16xi1>
      %get3A_1229 = arith.index_cast %select_n3A_1126 : i32 to index
      %get3A_1230 = arith.constant 64 : index
      %get3A_1231 = tpu.vector_load %arg4[%get3A_1229, %get3A_1230] {strides = array<i32>} : memref<50x128xi32, #tpu.memory_space<vmem>>, vector<16xi32>,
      %ge3A_1232 = vector.broadcast %mul3A_1144 : i32 to vector<16xi32>
      %ge3A_1233 = arith.cmpi sge, %get3A_1231, %ge3A_1232 : vector<16xi32>
      %add3A_1234 = arith.constant 200 : i32
      %add3A_1235 = arith.addi %mul3A_1144, %add3A_1234 : i32
      %lt3A_1236 = vector.broadcast %add3A_1235 : i32 to vector<16xi32>
      %lt3A_1237 = arith.cmpi slt, %get3A_1231, %lt3A_1236 : vector<16xi32>
      %and3A_1238 = arith.andi %ge3A_1233, %lt3A_1237 : vector<16xi1>
      %sub3A_1239 = vector.broadcast %mul3A_1144 : i32 to vector<16xi32>
      %sub3A_1240 = arith.subi %get3A_1231, %sub3A_1239 : vector<16xi32>
      %jit3A_1241 = arith.constant 0 : i32
      %jit3A_1242 = arith.constant 199 : i32
      %max3A_1243 = vector.broadcast %jit3A_1241 : i32 to vector<16xi32>
      %max3A_1244 = arith.maxsi %max3A_1243, %sub3A_1240 : vector<16xi32>
      %min3A_1245 = vector.broadcast %jit3A_1242 : i32 to vector<16xi32>
      %min3A_1246 = arith.minsi %min3A_1245, %max3A_1244 : vector<16xi32>
      %add3A_1247 = arith.constant 64 : i32
      %add3A_1248 = vector.broadcast %add3A_1247 : i32 to vector<16xi32>
      %add3A_1249 = arith.addi %iota3A, %add3A_1248 : vector<16xi32>
      tpu.vector_store_idx %arg6[%min3A_1246, %add3A_1249], %broadcast_in_dim3A_5 masked %and3A_1238 : memref<200x128xf32, #tpu.memory_space<vmem>>[vector<16xi32>, vector<16xi32>], vector<16xf32>, vector<16xi1>
      %get3A_1250 = arith.index_cast %select_n3A_1126 : i32 to index
      %get3A_1251 = arith.constant 80 : index
      %get3A_1252 = tpu.vector_load %arg4[%get3A_1250, %get3A_1251] {strides = array<i32>} : memref<50x128xi32, #tpu.memory_space<vmem>>, vector<16xi32>,
      %ge3A_1253 = vector.broadcast %mul3A_1144 : i32 to vector<16xi32>
      %ge3A_1254 = arith.cmpi sge, %get3A_1252, %ge3A_1253 : vector<16xi32>
      %add3A_1255 = arith.constant 200 : i32
      %add3A_1256 = arith.addi %mul3A_1144, %add3A_1255 : i32
      %lt3A_1257 = vector.broadcast %add3A_1256 : i32 to vector<16xi32>
      %lt3A_1258 = arith.cmpi slt, %get3A_1252, %lt3A_1257 : vector<16xi32>
      %and3A_1259 = arith.andi %ge3A_1254, %lt3A_1258 : vector<16xi1>
      %sub3A_1260 = vector.broadcast %mul3A_1144 : i32 to vector<16xi32>
      %sub3A_1261 = arith.subi %get3A_1252, %sub3A_1260 : vector<16xi32>
      %jit3A_1262 = arith.constant 0 : i32
      %jit3A_1263 = arith.constant 199 : i32
      %max3A_1264 = vector.broadcast %jit3A_1262 : i32 to vector<16xi32>
      %max3A_1265 = arith.maxsi %max3A_1264, %sub3A_1261 : vector<16xi32>
      %min3A_1266 = vector.broadcast %jit3A_1263 : i32 to vector<16xi32>
      %min3A_1267 = arith.minsi %min3A_1266, %max3A_1265 : vector<16xi32>
      %add3A_1268 = arith.constant 80 : i32
      %add3A_1269 = vector.broadcast %add3A_1268 : i32 to vector<16xi32>
      %add3A_1270 = arith.addi %iota3A, %add3A_1269 : vector<16xi32>
      tpu.vector_store_idx %arg6[%min3A_1267, %add3A_1270], %broadcast_in_dim3A_5 masked %and3A_1259 : memref<200x128xf32, #tpu.memory_space<vmem>>[vector<16xi32>, vector<16xi32>], vector<16xf32>, vector<16xi1>
      %get3A_1271 = arith.index_cast %select_n3A_1126 : i32 to index
      %get3A_1272 = arith.constant 96 : index
      %get3A_1273 = tpu.vector_load %arg4[%get3A_1271, %get3A_1272] {strides = array<i32>} : memref<50x128xi32, #tpu.memory_space<vmem>>, vector<16xi32>,
      %ge3A_1274 = vector.broadcast %mul3A_1144 : i32 to vector<16xi32>
      %ge3A_1275 = arith.cmpi sge, %get3A_1273, %ge3A_1274 : vector<16xi32>
      %add3A_1276 = arith.constant 200 : i32
      %add3A_1277 = arith.addi %mul3A_1144, %add3A_1276 : i32
      %lt3A_1278 = vector.broadcast %add3A_1277 : i32 to vector<16xi32>
      %lt3A_1279 = arith.cmpi slt, %get3A_1273, %lt3A_1278 : vector<16xi32>
      %and3A_1280 = arith.andi %ge3A_1275, %lt3A_1279 : vector<16xi1>
      %sub3A_1281 = vector.broadcast %mul3A_1144 : i32 to vector<16xi32>
      %sub3A_1282 = arith.subi %get3A_1273, %sub3A_1281 : vector<16xi32>
      %jit3A_1283 = arith.constant 0 : i32
      %jit3A_1284 = arith.constant 199 : i32
      %max3A_1285 = vector.broadcast %jit3A_1283 : i32 to vector<16xi32>
      %max3A_1286 = arith.maxsi %max3A_1285, %sub3A_1282 : vector<16xi32>
      %min3A_1287 = vector.broadcast %jit3A_1284 : i32 to vector<16xi32>
      %min3A_1288 = arith.minsi %min3A_1287, %max3A_1286 : vector<16xi32>
      %add3A_1289 = arith.constant 96 : i32
      %add3A_1290 = vector.broadcast %add3A_1289 : i32 to vector<16xi32>
      %add3A_1291 = arith.addi %iota3A, %add3A_1290 : vector<16xi32>
      tpu.vector_store_idx %arg6[%min3A_1288, %add3A_1291], %broadcast_in_dim3A_5 masked %and3A_1280 : memref<200x128xf32, #tpu.memory_space<vmem>>[vector<16xi32>, vector<16xi32>], vector<16xf32>, vector<16xi1>
      %get3A_1292 = arith.index_cast %select_n3A_1126 : i32 to index
      %get3A_1293 = arith.constant 112 : index
      %get3A_1294 = tpu.vector_load %arg4[%get3A_1292, %get3A_1293] {strides = array<i32>} : memref<50x128xi32, #tpu.memory_space<vmem>>, vector<16xi32>,
      %ge3A_1295 = vector.broadcast %mul3A_1144 : i32 to vector<16xi32>
      %ge3A_1296 = arith.cmpi sge, %get3A_1294, %ge3A_1295 : vector<16xi32>
      %add3A_1297 = arith.constant 200 : i32
      %add3A_1298 = arith.addi %mul3A_1144, %add3A_1297 : i32
      %lt3A_1299 = vector.broadcast %add3A_1298 : i32 to vector<16xi32>
      %lt3A_1300 = arith.cmpi slt, %get3A_1294, %lt3A_1299 : vector<16xi32>
      %and3A_1301 = arith.andi %ge3A_1296, %lt3A_1300 : vector<16xi1>
      %sub3A_1302 = vector.broadcast %mul3A_1144 : i32 to vector<16xi32>
      %sub3A_1303 = arith.subi %get3A_1294, %sub3A_1302 : vector<16xi32>
      %jit3A_1304 = arith.constant 0 : i32
      %jit3A_1305 = arith.constant 199 : i32
      %max3A_1306 = vector.broadcast %jit3A_1304 : i32 to vector<16xi32>
      %max3A_1307 = arith.maxsi %max3A_1306, %sub3A_1303 : vector<16xi32>
      %min3A_1308 = vector.broadcast %jit3A_1305 : i32 to vector<16xi32>
      %min3A_1309 = arith.minsi %min3A_1308, %max3A_1307 : vector<16xi32>
      %add3A_1310 = arith.constant 112 : i32
      %add3A_1311 = vector.broadcast %add3A_1310 : i32 to vector<16xi32>
      %add3A_1312 = arith.addi %iota3A, %add3A_1311 : vector<16xi32>
      tpu.vector_store_idx %arg6[%min3A_1309, %add3A_1312], %broadcast_in_dim3A_5 masked %and3A_1301 : memref<200x128xf32, #tpu.memory_space<vmem>>[vector<16xi32>, vector<16xi32>], vector<16xf32>, vector<16xi1>
      %jit3A_1313 = arith.constant 5 : i32
      %div3A_1314 = arith.divsi %add3A_883, %jit3A_1313 : i32
      %sign3A_1315 = arith.constant 0 : i32
      %sign3A_1316 = arith.cmpi sgt, %add3A_883, %sign3A_1315 : i32
      %sign3A_1317 = arith.extui %sign3A_1316 : i1 to i32
      %sign3A_1318 = arith.constant 0 : i32
      %sign3A_1319 = arith.cmpi slt, %add3A_883, %sign3A_1318 : i32
      %sign3A_1320 = arith.extui %sign3A_1319 : i1 to i32
      %sign3A_1321 = arith.subi %sign3A_1317, %sign3A_1320 : i32
      %sign3A_1322 = arith.constant 0 : i32
      %sign3A_1323 = arith.cmpi sgt, %jit3A_1313, %sign3A_1322 : i32
      %sign3A_1324 = arith.extui %sign3A_1323 : i1 to i32
      %sign3A_1325 = arith.constant 0 : i32
      %sign3A_1326 = arith.cmpi slt, %jit3A_1313, %sign3A_1325 : i32
      %sign3A_1327 = arith.extui %sign3A_1326 : i1 to i32
      %sign3A_1328 = arith.subi %sign3A_1324, %sign3A_1327 : i32
      %ne3A_1329 = arith.cmpi ne, %sign3A_1321, %sign3A_1328 : i32
      %rem3A_1330 = arith.remsi %add3A_883, %jit3A_1313 : i32
      %ne3A_1331 = arith.constant 0 : i32
      %ne3A_1332 = arith.cmpi ne, %rem3A_1330, %ne3A_1331 : i32
      %and3A_1333 = arith.andi %ne3A_1329, %ne3A_1332 : i1
      %sub3A_1334 = arith.constant 1 : i32
      %sub3A_1335 = arith.subi %div3A_1314, %sub3A_1334 : i32
      %select_n3A_1336 = arith.select %and3A_1333, %sub3A_1335, %div3A_1314 : i32
      %jit3A_1337 = arith.constant 5 : i32
      %eq3A_1338 = arith.constant 0 : i32
      %eq3A_1339 = arith.cmpi eq, %jit3A_1337, %eq3A_1338 : i32
      %jit3A_1340 = arith.constant 1 : i32
      %select_n3A_1341 = arith.select %eq3A_1339, %jit3A_1340, %jit3A_1337 : i32
      %rem3A_1342 = arith.remsi %add3A_883, %select_n3A_1341 : i32
      %ne3A_1343 = arith.constant 0 : i32
      %ne3A_1344 = arith.cmpi ne, %rem3A_1342, %ne3A_1343 : i32
      %lt3A_1345 = arith.constant 0 : i32
      %lt3A_1346 = arith.cmpi slt, %rem3A_1342, %lt3A_1345 : i32
      %lt3A_1347 = arith.constant 0 : i32
      %lt3A_1348 = arith.cmpi slt, %select_n3A_1341, %lt3A_1347 : i32
      %ne3A_1349 = arith.xori %lt3A_1346, %lt3A_1348 : i1
      %and3A_1350 = arith.andi %ne3A_1349, %ne3A_1344 : i1
      %add3A_1351 = arith.addi %rem3A_1342, %select_n3A_1341 : i32
      %select_n3A_1352 = arith.select %and3A_1350, %add3A_1351, %rem3A_1342 : i32
      %mul3A_1353 = arith.constant 200 : i32
      %mul3A_1354 = arith.muli %select_n3A_1352, %mul3A_1353 : i32
      %multiple_of3A_1355 = tpu.assume_multiple %mul3A_1354, 8 : i32
      %dma_start3A_1356 = tpu.memref_slice %arg3[%select_n3A_1336, %multiple_of3A_1355, %mul3A_2] : memref<50x1000x4096xf32, #tpu.memory_space<hbm>> -> memref<1x200x128xf32, #tpu.memory_space<hbm>>
      %dma_start3A_1357 = tpu.memref_squeeze %dma_start3A_1356 : memref<1x200x128xf32, #tpu.memory_space<hbm>> -> memref<200x128xf32, #tpu.memory_space<hbm>>
      %dma_start3A_1358 = tpu.memref_slice %arg3[%select_n3A_1336, %multiple_of3A_1355, %mul3A_2] : memref<50x1000x4096xf32, #tpu.memory_space<hbm>> -> memref<1x200x128xf32, #tpu.memory_space<hbm>>
      %dma_start3A_1359 = tpu.memref_squeeze %dma_start3A_1358 : memref<1x200x128xf32, #tpu.memory_space<hbm>> -> memref<200x128xf32, #tpu.memory_space<hbm>>
      tpu.enqueue_dma source(%arg6 : memref<200x128xf32, #tpu.memory_space<vmem>>) target(%dma_start3A_1359 : memref<200x128xf32, #tpu.memory_space<hbm>>) target_semaphore(%arg8 : memref<!tpu.dma_semaphore, #tpu.memory_space<semaphore_mem>>)
      %scan3A_1360 = arith.constant 0 : i32
      scf.yield %scan3A_1360 : i32
    }
    %scan3A_390 = arith.constant 124 : i32
    %dma_wait3A = arith.constant 0 : i32
    %dma_wait3A_391 = arith.constant 0 : i32
    %dma_wait3A_392 = tpu.memref_slice %arg3[%dma_wait3A, %dma_wait3A_391, %mul3A_2] : memref<50x1000x4096xf32, #tpu.memory_space<hbm>> -> memref<1x200x128xf32, #tpu.memory_space<hbm>>
    %dma_wait3A_393 = tpu.memref_squeeze %dma_wait3A_392 : memref<1x200x128xf32, #tpu.memory_space<hbm>> -> memref<200x128xf32, #tpu.memory_space<hbm>>
    %dma_wait3A_394 = arith.constant 0 : i32
    %dma_wait3A_395 = tpu.memref_slice %arg3[%dma_wait3A, %dma_wait3A_394, %mul3A_2] : memref<50x1000x4096xf32, #tpu.memory_space<hbm>> -> memref<1x200x128xf32, #tpu.memory_space<hbm>>
    %dma_wait3A_396 = tpu.memref_squeeze %dma_wait3A_395 : memref<1x200x128xf32, #tpu.memory_space<hbm>> -> memref<200x128xf32, #tpu.memory_space<hbm>>
    tpu.wait_dma2 semaphore(%arg7 : memref<!tpu.dma_semaphore, #tpu.memory_space<semaphore_mem>>) src(%arg5 : memref<200x128xf32, #tpu.memory_space<vmem>>) dst(%dma_wait3A_396 : memref<200x128xf32, #tpu.memory_space<hbm>>)
    %dma_wait3A_397 = arith.constant 0 : i32
    %dma_wait3A_398 = arith.constant 0 : i32
    %dma_wait3A_399 = tpu.memref_slice %arg3[%dma_wait3A_397, %dma_wait3A_398, %mul3A_2] : memref<50x1000x4096xf32, #tpu.memory_space<hbm>> -> memref<1x200x128xf32, #tpu.memory_space<hbm>>
    %dma_wait3A_400 = tpu.memref_squeeze %dma_wait3A_399 : memref<1x200x128xf32, #tpu.memory_space<hbm>> -> memref<200x128xf32, #tpu.memory_space<hbm>>
    %dma_wait3A_401 = arith.constant 0 : i32
    %dma_wait3A_402 = tpu.memref_slice %arg3[%dma_wait3A_397, %dma_wait3A_401, %mul3A_2] : memref<50x1000x4096xf32, #tpu.memory_space<hbm>> -> memref<1x200x128xf32, #tpu.memory_space<hbm>>
    %dma_wait3A_403 = tpu.memref_squeeze %dma_wait3A_402 : memref<1x200x128xf32, #tpu.memory_space<hbm>> -> memref<200x128xf32, #tpu.memory_space<hbm>>
    tpu.wait_dma2 semaphore(%arg8 : memref<!tpu.dma_semaphore, #tpu.memory_space<semaphore_mem>>) src(%arg6 : memref<200x128xf32, #tpu.memory_space<vmem>>) dst(%dma_wait3A_403 : memref<200x128xf32, #tpu.memory_space<hbm>>)
    return
  }
}

</mosaic_0001>

<sc_bundles>
// kernel: kernel.3.cloned.1.call-start
scs
__scs_entry_jumppad:
0x0: {  	(pc) =	sbr.rel $0x88, $3  }
0x1: {  	(tag) =	ssettag $0x0;
	lr =	simm.s32 $0x1  }
0x2: {  	[smem:$0x3FA0] =	sst lr;
	_ =	strace $0xD0000000  }
0x3: {  	_ = 	snop  }
0x4: {  	_ = 	snop  }
0x5: {  	_ = 	snop  }
0x6: {  	_ = 	snop  }
0x7: {  	_ = 	snop  }
__scs_overlays_trampoline_lowered:
0x8: {  	[smem:$0x3FAF] =	sst s0  }
0x9: {  	[smem:$0x3FB0] =	sst s1  }
0xa: {  	[smem:$0x3FB1] =	sst s2  }
0xb: {  	[smem:$0x3FB2] =	sst s3  }
0xc: {  	[smem:$0x3FB3] =	sst s4  }
0xd: {  	[smem:$0x3FB4] =	sst s5  }
0xe: {  	[smem:$0x3FB5] =	sst s6  }
0xf: {  	[smem:$0x3FB6] =	sst s7  }
0x10: {  	[smem:$0x3FB7] =	sst s8  }
0x11: {  	[smem:$0x3FB8] =	sst s9;
	s0 =	simm.s32 @!p0 $0x0  }
0x12: {  	s1 =	sld [smem:$0x3F9E];
	s0 =	simm.s32 @p0 $0x1  }
0x13: {  	[smem:$0x3FB9] =	sst s0;
	s0 =	simm.s32 @!p1 $0x0  }
0x14: {  	s2 =	sld [smem:$0x3F9D];
	s0 =	simm.s32 @p1 $0x1  }
0x15: {  	[smem:$0x3FBA] =	sst s0;
	s0 =	simm.s32 @!p2 $0x0  }
0x16: {  	s3 =	sld [smem:$0x3FDB];
	s0 =	simm.s32 @p2 $0x1  }
0x17: {  	s4 =	simm.s32 $0x1BF5;
	[smem:$0x3FBC] =	sst s0  }
0x18: {  	s0 =	sld [smem:$0x3F9F];
	_ =	swait.ge [sflag:s4], $0x0  }
0x19: {  	s7 =	sld [smem:$0x3FA0]  }
0x1a: {  	s8 =	sadd.s32 $0xFFFFE003, lr  }
0x1b: {  	s9 =	sadd.s32 $0xFFFFFEF7, lr;
	s5 =	simm.s32 $0xFFFFFFFF;
	p2 =	slt.u32 s8, $0xFFFFF086  }
0x1c: {  	p1 =	slt.u32 s9, $0xF7A;
	s5 =	simm.s32 @!p2 $0x0  }
0x1d: {  	s5 =	simm.s32 @p1 $0x1;
	p0 =	seq.s32 s7, s2  }
0x1e: {  	s7 =	smul.u32 @!p0 $0xF7A, s2;
	p2 =	seq.s32 @!p0 s5, $0x0  }
0x1f: {  	s9 =	smul.u32 $0xF7A, s1;
	s8 =	simm.s32 @!p0 $0x1BF5;
	p2 =	por !p2, p0  }
0x20: {  	[sflag:s8] =	ssyncset.s32 @!p0 $0xFFFFF086;
	s6 =	sadd.s32 @!p0 s3, s7;
	s7 =	simm.s32 @!p0 $0x108  }
0x21: {  	s3 =	sadd.s32 s3, s9;
	s6 =	sadd.s32 @!p0 $0x88, s6;
	s7 =	simm.s32 @p2 $0x1082  }
0x22: {  	[simem:s7], [sflag:s8] =	dma.local @!p0 [hbm:s6], $0xF7A  }
0x23: {  	s9 =	sor.u32 $0xD0000000, s2;
	s6 =	simm.s32 $0x108;
	_ =	swait.ge @!p0 [sflag:s8], $0x0  }
0x24: {  	s3 =	sadd.s32 $0x88, s3;
	s6 =	simm.s32 @!p1 $0x1082;
	[sflag:s4] =	ssyncset.s32 $0xFFFFF086  }
0x25: {  	[simem:s6], [sflag:s4] =	dma.local [hbm:s3], $0xF7A  }
0x26: {  	[smem:$0x3FA0] =	sst s1;
	(tag) =	ssettag s2;
	_ =	strace s9  }
0x27: {  	s1 =	sld [smem:$0x3FB0]  }
0x28: {  	s2 =	sld [smem:$0x3FB1]  }
0x29: {  	s4 =	sld [smem:$0x3FB3]  }
0x2a: {  	p0 =	seq.s32 s5, $0x0;
	s5 =	sld [smem:$0x3FB4]  }
0x2b: {  	s6 =	sld [smem:$0x3FB5]  }
0x2c: {  	s7 =	sld [smem:$0x3FB6]  }
0x2d: {  	s3 =	simm.s32 $0x108;
	s8 =	sld [smem:$0x3FB7]  }
0x2e: {  	s3 =	simm.s32 @!p0 $0x1082;
	s9 =	sld [smem:$0x3FB8]  }
0x2f: {  	lr =	sadd.s32 s0, s3;
	s0 =	sld [smem:$0x3FAF]  }
0x30: {  	s3 =	sld [smem:$0x3FB2]  }
0x31: {  	[smem:$0x3FBB] =	sst s10  }
0x32: {  	s10 =	sld [smem:$0x3FB9];
	_ =	sdelay $0x3  }
0x33: {  	p0 =	seq.s32 s10, $0x1;
	s10 =	sld [smem:$0x3FBB];
	_ =	sdelay $0x3  }
0x34: {  	[smem:$0x3FBB] =	sst s10  }
0x35: {  	s10 =	sld [smem:$0x3FBA];
	_ =	sdelay $0x3  }
0x36: {  	p1 =	seq.s32 s10, $0x1;
	s10 =	sld [smem:$0x3FBB];
	_ =	sdelay $0x3  }
0x37: {  	[smem:$0x3FBB] =	sst s10  }
0x38: {  	s10 =	sld [smem:$0x3FBC]  }
0x39: {  	_ = 	snop;
	(pc) =	sbr.ind lr, $3  }
0x3a: {  	_ = 	snop  }
0x3b: {  	_ = 	snop  }
0x3c: {  	p2 =	seq.s32 s10, $0x1;
	s10 =	sld [smem:$0x3FBB]  }
0x3d: {  	_ =	shalt  }
0x3e: {  	_ =	shalt  }
0x3f: {  	_ =	shalt  }
0x40: {  	_ =	shalt  }
0x41: {  	_ =	shalt  }
0x42: {  	_ =	shalt  }
0x43: {  	_ =	shalt  }
0x44: {  	_ =	shalt  }
0x45: {  	_ =	shalt  }
0x46: {  	_ =	shalt  }
0x47: {  	_ =	shalt  }
0x48: {  	_ =	shalt  }
0x49: {  	_ =	shalt  }
0x4a: {  	_ =	shalt  }
0x4b: {  	_ =	shalt  }
0x4c: {  	_ =	shalt  }
0x4d: {  	_ =	shalt  }
0x4e: {  	_ =	shalt  }
0x4f: {  	_ =	shalt  }
0x50: {  	_ =	shalt  }
0x51: {  	_ =	shalt  }
0x52: {  	_ =	shalt  }
0x53: {  	_ =	shalt  }
0x54: {  	_ =	shalt  }
0x55: {  	_ =	shalt  }
0x56: {  	_ =	shalt  }
0x57: {  	_ =	shalt  }
0x58: {  	_ =	shalt  }
0x59: {  	_ =	shalt  }
0x5a: {  	_ =	shalt  }
0x5b: {  	_ =	shalt  }
0x5c: {  	_ =	shalt  }
0x5d: {  	_ =	shalt  }
0x5e: {  	_ =	shalt  }
0x5f: {  	_ =	shalt  }
0x60: {  	_ =	shalt  }
0x61: {  	_ =	shalt  }
0x62: {  	_ =	shalt  }
0x63: {  	_ =	shalt  }
0x64: {  	_ =	shalt  }
0x65: {  	_ =	shalt  }
0x66: {  	_ =	shalt  }
0x67: {  	_ =	shalt  }
0x68: {  	_ =	shalt  }
0x69: {  	_ =	shalt  }
0x6a: {  	_ =	shalt  }
0x6b: {  	_ =	shalt  }
0x6c: {  	_ =	shalt  }
0x6d: {  	_ =	shalt  }
0x6e: {  	_ =	shalt  }
0x6f: {  	_ =	shalt  }
0x70: {  	_ =	shalt  }
0x71: {  	_ =	shalt  }
0x72: {  	_ =	shalt  }
0x73: {  	_ =	shalt  }
0x74: {  	_ =	shalt  }
0x75: {  	_ =	shalt  }
0x76: {  	_ =	shalt  }
0x77: {  	_ =	shalt  }
0x78: {  	_ =	shalt  }
0x79: {  	_ =	shalt  }
0x7a: {  	_ =	shalt  }
0x7b: {  	_ =	shalt  }
0x7c: {  	_ =	shalt  }
0x7d: {  	_ =	shalt  }
0x7e: {  	_ =	shalt  }
0x7f: {  	_ =	shalt  }
0x80: {  	_ =	shalt  }
0x81: {  	_ =	shalt  }
0x82: {  	_ =	shalt  }
0x83: {  	_ =	shalt  }
0x84: {  	_ =	shalt  }
0x85: {  	_ =	shalt  }
0x86: {  	_ =	shalt  }
0x87: {  	_ =	shalt  }
.Lfunc_end0:
.L_simem_size_0:
called_computation_lowered:
.L_overlay_start_0:
0x88: {  	s2 =	sld [smem:$0x3FD9]  }
0x89: {  	s3 =	sld [smem:$0x3FFE];
	_ =	sdelay $0x1  }
0x8a: {  	s1 =	srdreg.scid  }
0x8b: {  	s0 =	sand.u32 $0x1, s1  }
0x8c: {  	s18 =	sshll.u32 s0, $0xA;
	s2 =	sadd.s32 s3, s2  }
0x8d: {  	s2 =	sadd.s32 s2, s18  }
0x8e: {  	[smem:$0x3FC7] =	sst s2  }
0x8f: {  	_ = 	snop  }
0x90: {  	s2 =	sld [smem:$0x3FC9]  }
0x91: {  	s19 =	sld [smem:$0x3FD0];
	(tm) =	ssettm $0x1  }
0x92: {  	s4 =	sld [smem:$0x3FFB];
	_ =	sdelay $0x3  }
0x93: {  	_ =	strace s4  }
0x94: {  	s4 =	sld [smem:$0x3FFC];
	_ =	sdelay $0x3  }
0x95: {  	_ =	strace s4  }
0x96: {  	s4 =	sld [smem:$0x3FFD];
	_ =	sdelay $0x3  }
0x97: {  	_ =	strace s4  }
0x98: {  	_ =	strace $0x8FFFFFFF  }
0x99: {  	s20 =	sld [smem:$0x3FDB];
	_ =	sdelay $0x1  }
0x9a: {  	s5 =	simm.s32 $_scs_section_size  }
0x9b: {  	s6 =	simm.s32 $_size__tile_overlayer_lowered;
	s7 =	simm.s32 $_tile_overlayer_lowered  }
0x9c: {  	s23 =	simm.s32 $0x1BFF;
	s22 =	sshll.u32 s7, $0x1;
	s4 =	sadd.s32 s5, s20  }
0x9d: {  	s8 =	simm.s32 $0x0;
	s21 =	sshll.u32 s6, $0x1;
	s6 =	sadd.s32 s22, s4  }
0x9e: {  	[timem:s8], [sflag:s23] =	dma.local [hbm:s6], s21  }
0x9f: {  	_ =	swait.ge [sflag:s23], s21  }
0xa0: {  	s5 =	ssub.s32 $0x0, s21;
	[sflag:s23] =	ssyncset.done $0x0  }
0xa1: {  	[sflag:s23] =	ssyncadd.s32 s5;
	_ =	sdelay $0x1  }
0xa2: {  	s24 =	simm.s32 $0x1B8B  }
0xa3: {  	_ =	swait.ge [sflag:s24], $0x1  }
0xa4: {  	[sflag:s24] =	ssyncset.done $0x0  }
0xa5: {  	s25 =	simm.s32 $0x1B8E;
	[sflag:s24] =	ssyncadd.s32 $0xFFFFFFFF  }
0xa6: {  	s26 =	simm.s32 $execute0_lowered;
	[smem:$0x3FD2] =	sst s25  }
0xa7: {  	s5 =	sshll.u32 s26, $0x1;
	_ =	strace $0x80000046;
	[dreg:$0x1] =	wrdreg $0xFFFFFFFF  }
0xa8: {  	s28 =	simm.s32 $_size_execute0_lowered;
	s4 =	sadd.s32 s4, s5;
	[dreg:$0x0] =	wrdreg $0x0  }
0xa9: {  	s5 =	sshll.u32 s28, $0x1;
	[dreg:$0x2] =	wrdreg s4  }
0xaa: {  	[dreg:$0x3] =	wrdreg s5  }
0xab: {  	[dreg:$0x4] =	wrdreg $0xC0  }
0xac: {  	_ =	task [dreg:s8], $0x5FFFF  }
0xad: {  	[dreg:$0x1] =	wrdreg $0xFFFFFFFF  }
0xae: {  	[dreg:$0x0] =	wrdreg $0x60  }
0xaf: {  	[dreg:$0x2] =	wrdreg s2  }
0xb0: {  	[dreg:$0x3] =	wrdreg s19  }
0xb1: {  	[dreg:$0x4] =	wrdreg $0x9  }
0xb2: {  	_ =	task.clear_ibuf [dreg:s8], $0x5FFFF;
	_ =	strace $0x90000046  }
0xb3: {  	s29 =	simm.s32 $0x9;
	_ =	strace $0x80000048  }
0xb4: {  	_ =	swait.ge [sflag:s29], $0x1  }
0xb5: {  	[sflag:s29] =	ssyncadd.s32 $0xFFFFFFFF  }
0xb6: {  	_ =	strace $0x90000048  }
0xb7: {  	_ =	sfence  }
0xb8: {  	s30 =	sld [smem:$0x0];
	_ =	sdelay $0x2  }
0xb9: {  	s31 =	sshll.u32 s1, $0xD;
	s1 =	sshrl.u32 s1, $0x2  }
0xba: {  	s3 =	sand.u32 $0x4000, s31;
	s1 =	sadd.s32 s1, s30  }
0xbb: {  	s0 =	sor.u32 s3, s0;
	s1 =	sshll.u32 s1, $0x11  }
0xbc: {  	s0 =	sor.u32 s1, s0  }
0xbd: {  	s0 =	sadd.s32 $0x8F2B, s0  }
0xbe: {  	[sflag:s0] =	ssyncadd.remote.s32 $0x1  }
0xbf: {  	_ =	sfence.sel $0xFFFF  }
0xc0: {  	[dreg:$0x0] =	wrdreg $0xFFFFFFFF;
	(pc) =	sbr.abs _section_cstart, $3  }
0xc1: {  	[dreg:$0x1] =	wrdreg $0xFFFFFFFF  }
0xc2: {  	_ =	task.clear_ibuf [dreg:s8], $0x2FFFF;
	_ =	strace $0x9FFFFFFF  }
0xc3: {  	(tm) =	ssettm $0x7FFFFFFF  }
tec
execute0_lowered:
.L_overlay_start_1:
0x0: {  	(tag) =	ssettag $0x1  }
0x1: {  	s5 =	rddreg [dreg:$0x0]  }
0x2: {  	s2 =	rddreg [dreg:$0x1];
	s3 =	srdreg.scid  }
0x3: {  	s0 =	rddreg [dreg:$0x2];
	s1 =	stileid.u32  }
0x4: {  	s10 =	simm.s32 $0x400;
	s11 =	simm.s32 $0x8000;
	s12 =	simm.s32 $0x1800  }
0x5: {  	s13 =	simm.s32 $0x3;
	s14 =	simm.s32 $0x1C00;
	s15 =	simm.s32 $0x1  }
0x6: {  	s16 =	simm.s32 $0x2;
	s17 =	simm.s32 $0x0;
	s6 =	sand.u32 $0x1, s3  }
0x7: {  	s3 =	simm.s32 $0x0;
	s4 =	sshll.u32 s1, $0xB;
	s7 =	sshll.u32 s6, $0xA  }
0x8: {  	v0 =	vlaneseq.u32;
	[smem:$0x7FF] =	sst s3;
	s30 =	ssub.s32 $0x2, s6;
	s4 =	sor.u32 s7, s4  }
0x9: {  	v1 =	vimm.f32 $0.0e+00;
	v2 =	vimm.f32 $1.000000000e+00;
	v3 =	vor.u32 $0x10, v0;
	_ =	strace $0x80000047;
	s8 =	sshrl.u32 s30, $0x1;
	s31 =	sshrl.u32 s4, $0x3  }
0xa: {  	v4 =	vor.u32 $0x20, v0;
	v5 =	vor.u32 $0x30, v0;
	v6 =	vor.u32 $0x40, v0;
	s9 =	ssub.s32 s30, s8;
	s5 =	sadd.s32 s5, s31;
	s6 =	sadd.s32 s2, s31  }
0xb: {  	v7 =	vor.u32 $0x50, v0;
	v8 =	vor.u32 $0x60, v0;
	v9 =	vor.u32 $0x70, v0;
	s9 =	smax.u32 s9, $0x1;
	s7 =	sadd.s32 $0x6000, s5;
	s8 =	sadd.s32 $0x19000, s6  }
.LBB2_1:
0xc: {  	[tilespmem:s3], [sflag:$0x3] =	stream.strided.gather [hbm4b:s5+s10], $0x1800, s11, s10, $0x38;
	[tilespmem:$0xE400] =	vst v63  }
0xd: {  	_ = 	snop  }
0xe: {  	[tilespmem:s12], [sflag:$0x3] =	stream.linear.gather [hbm4b:s7+s3], $0x100, $0x38;
	[tilespmem:$0xE400] =	vst v63  }
0xf: {  	_ =	swait.ge [sflag:s13], $0x1900  }
0x10: {  	[sflag:s13] =	ssyncset.done $0x0  }
0x11: {  	s18 =	simm.s32 $0x0;
	s19 =	simm.s32 $0x200;
	[sflag:s13] =	ssyncadd.s32 $0xFFFFE700  }
.LBB2_2:
0x12: {  	p0 =	sne.s32 s19, $0x18E00;
	[tilespmem:s18+$0x8070] =	vst v1  }
0x13: {  	[tilespmem:s18+$0x1C00] =	vst v1  }
0x14: {  	[tilespmem:s18+$0x8000] =	vst v1  }
0x15: {  	[tilespmem:s18+$0x1C10] =	vst v1  }
0x16: {  	[tilespmem:s18+$0x8010] =	vst v1  }
0x17: {  	[tilespmem:s18+$0x1C20] =	vst v1  }
0x18: {  	[tilespmem:s18+$0x8020] =	vst v1  }
0x19: {  	[tilespmem:s18+$0x1C30] =	vst v1  }
0x1a: {  	[tilespmem:s18+$0x8030] =	vst v1  }
0x1b: {  	[tilespmem:s18+$0x1C40] =	vst v1  }
0x1c: {  	[tilespmem:s18+$0x8040] =	vst v1  }
.Ltmp0:
0x1d: {  	[tilespmem:s18+$0x1C50] =	vst v1;
	(pc) =	sbr.rel @p0 .LBB2_2-.Ltmp0, $4  }
0x1e: {  	[tilespmem:s18+$0x8050] =	vst v1  }
0x1f: {  	[tilespmem:s18+$0x1C60] =	vst v1  }
0x20: {  	[tilespmem:s18+$0x8060] =	vst v1  }
0x21: {  	[tilespmem:s18+$0x1C70] =	vst v1;
	s18 =	sshra.s32 s19, $0x2;
	s19 =	sadd.s32 $0x200, s19  }
0x22: {  	[tilespmem:s18+$0x8070] =	vst v1  }
0x23: {  	[tilespmem:s18+$0x1C00] =	vst v1  }
0x24: {  	[tilespmem:s18+$0x8000] =	vst v1  }
0x25: {  	[tilespmem:s18+$0x1C10] =	vst v1  }
0x26: {  	[tilespmem:s18+$0x8010] =	vst v1  }
0x27: {  	[tilespmem:s18+$0x1C20] =	vst v1  }
0x28: {  	[tilespmem:s18+$0x8020] =	vst v1  }
0x29: {  	[tilespmem:s18+$0x1C30] =	vst v1  }
0x2a: {  	[tilespmem:s18+$0x8030] =	vst v1  }
0x2b: {  	[tilespmem:s18+$0x1C40] =	vst v1  }
0x2c: {  	[tilespmem:s18+$0x8040] =	vst v1  }
0x2d: {  	[tilespmem:s18+$0x1C50] =	vst v1  }
0x2e: {  	[tilespmem:s18+$0x8050] =	vst v1  }
0x2f: {  	[tilespmem:s18+$0x1C60] =	vst v1  }
0x30: {  	[tilespmem:s18+$0x8060] =	vst v1  }
0x31: {  	[tilespmem:s18+$0x1C70] =	vst v1  }
0x32: {  	v10 =	vld [tilespmem:$0x0];
	_ =	sdelay $0x4  }
0x33: {  	vm0 =	vgt.s32 v10, $0x0  }
0x34: {  	v11 =	vnsel vm0, $0x0, v10  }
0x35: {  	v11 =	vmin.u32 v11, $0xC7  }
0x36: {  	vm9 =	vlt.u32 v10, $0xC8;
	v10 =	vshll.u32 v11, $0x7  }
0x37: {  	v10 =	vor.u32 v0, v10;
	_ =	sdelay $0x4  }
0x38: {  	[tilespmem:v10+s14+$0x0] =	vst.idx.msk vm9, v2  }
0x39: {  	v10 =	vld [tilespmem:$0x10];
	_ =	sdelay $0x4  }
0x3a: {  	vm10 =	vgt.s32 v10, $0x0  }
0x3b: {  	v11 =	vnsel vm10, $0x0, v10  }
0x3c: {  	v11 =	vmin.u32 v11, $0xC7  }
0x3d: {  	vm11 =	vlt.u32 v10, $0xC8;
	v10 =	vshll.u32 v11, $0x7  }
0x3e: {  	v10 =	vor.u32 v3, v10;
	_ =	sdelay $0x4  }
0x3f: {  	[tilespmem:v10+s14+$0x0] =	vst.idx.msk vm11, v2  }
0x40: {  	v10 =	vld [tilespmem:$0x20];
	_ =	sdelay $0x4  }
0x41: {  	vm12 =	vgt.s32 v10, $0x0  }
0x42: {  	v11 =	vnsel vm12, $0x0, v10  }
0x43: {  	v11 =	vmin.u32 v11, $0xC7  }
0x44: {  	vm13 =	vlt.u32 v10, $0xC8;
	v10 =	vshll.u32 v11, $0x7  }
0x45: {  	v10 =	vor.u32 v4, v10;
	_ =	sdelay $0x4  }
0x46: {  	[tilespmem:v10+s14+$0x0] =	vst.idx.msk vm13, v2  }
0x47: {  	v10 =	vld [tilespmem:$0x30];
	_ =	sdelay $0x4  }
0x48: {  	vm14 =	vgt.s32 v10, $0x0  }
0x49: {  	v11 =	vnsel vm14, $0x0, v10  }
0x4a: {  	v11 =	vmin.u32 v11, $0xC7  }
0x4b: {  	vm15 =	vlt.u32 v10, $0xC8;
	v10 =	vshll.u32 v11, $0x7  }
0x4c: {  	v10 =	vor.u32 v5, v10;
	_ =	sdelay $0x4  }
0x4d: {  	[tilespmem:v10+s14+$0x0] =	vst.idx.msk vm15, v2  }
0x4e: {  	v10 =	vld [tilespmem:$0x40];
	_ =	sdelay $0x4  }
0x4f: {  	vm4 =	vgt.s32 v10, $0x0  }
0x50: {  	v11 =	vnsel vm4, $0x0, v10  }
0x51: {  	v11 =	vmin.u32 v11, $0xC7  }
0x52: {  	vm5 =	vlt.u32 v10, $0xC8;
	v10 =	vshll.u32 v11, $0x7  }
0x53: {  	v10 =	vor.u32 v6, v10;
	_ =	sdelay $0x4  }
0x54: {  	[tilespmem:v10+s14+$0x0] =	vst.idx.msk vm5, v2  }
0x55: {  	v10 =	vld [tilespmem:$0x50];
	_ =	sdelay $0x4  }
0x56: {  	vm6 =	vgt.s32 v10, $0x0  }
0x57: {  	v11 =	vnsel vm6, $0x0, v10  }
0x58: {  	v11 =	vmin.u32 v11, $0xC7  }
0x59: {  	vm7 =	vlt.u32 v10, $0xC8;
	v10 =	vshll.u32 v11, $0x7  }
0x5a: {  	v10 =	vor.u32 v7, v10;
	_ =	sdelay $0x4  }
0x5b: {  	[tilespmem:v10+s14+$0x0] =	vst.idx.msk vm7, v2  }
0x5c: {  	v10 =	vld [tilespmem:$0x60];
	_ =	sdelay $0x4  }
0x5d: {  	vm8 =	vgt.s32 v10, $0x0  }
0x5e: {  	v11 =	vnsel vm8, $0x0, v10  }
0x5f: {  	v11 =	vmin.u32 v11, $0xC7  }
0x60: {  	vm9 =	vlt.u32 v10, $0xC8;
	v10 =	vshll.u32 v11, $0x7  }
0x61: {  	v10 =	vor.u32 v8, v10;
	_ =	sdelay $0x4  }
0x62: {  	[tilespmem:v10+s14+$0x0] =	vst.idx.msk vm9, v2  }
0x63: {  	v10 =	vld [tilespmem:$0x70];
	_ =	sdelay $0x4  }
0x64: {  	vm10 =	vgt.s32 v10, $0x0  }
0x65: {  	v11 =	vnsel vm10, $0x0, v10  }
0x66: {  	v11 =	vmin.u32 v11, $0xC7  }
0x67: {  	vm11 =	vlt.u32 v10, $0xC8;
	v10 =	vshll.u32 v11, $0x7  }
0x68: {  	v10 =	vor.u32 v9, v10;
	_ =	sdelay $0x4  }
0x69: {  	[tilespmem:v10+s14+$0x0] =	vst.idx.msk vm11, v2  }
0x6a: {  	[hbm4b:s6+s10] =	stream.strided.scatter [tilespmem:s14], [sflag:$0x1], $0x6400, s11, s10, $0x38;
	[tilespmem:$0xE400] =	vst v63  }
0x6b: {  	v10 =	vld [tilespmem:$0x0];
	_ =	sdelay $0x4  }
0x6c: {  	v10 =	vadd.s32 $0xFFFFFF38, v10  }
0x6d: {  	vm12 =	vgt.s32 v10, $0x0  }
0x6e: {  	v11 =	vnsel vm12, $0x0, v10  }
0x6f: {  	v11 =	vmin.u32 v11, $0xC7  }
0x70: {  	vm13 =	vlt.u32 v10, $0xC8;
	v10 =	vshll.u32 v11, $0x7  }
0x71: {  	v10 =	vor.u32 v0, v10;
	_ =	sdelay $0x4  }
0x72: {  	[tilespmem:v10+s11+$0x0] =	vst.idx.msk vm13, v2  }
0x73: {  	v10 =	vld [tilespmem:$0x10];
	_ =	sdelay $0x4  }
0x74: {  	v10 =	vadd.s32 $0xFFFFFF38, v10  }
0x75: {  	vm14 =	vgt.s32 v10, $0x0  }
0x76: {  	v11 =	vnsel vm14, $0x0, v10  }
0x77: {  	v11 =	vmin.u32 v11, $0xC7  }
0x78: {  	vm15 =	vlt.u32 v10, $0xC8;
	v10 =	vshll.u32 v11, $0x7  }
0x79: {  	v10 =	vor.u32 v3, v10;
	_ =	sdelay $0x4  }
0x7a: {  	[tilespmem:v10+s11+$0x0] =	vst.idx.msk vm15, v2  }
0x7b: {  	v10 =	vld [tilespmem:$0x20];
	_ =	sdelay $0x4  }
0x7c: {  	v10 =	vadd.s32 $0xFFFFFF38, v10  }
0x7d: {  	vm4 =	vgt.s32 v10, $0x0  }
0x7e: {  	v11 =	vnsel vm4, $0x0, v10  }
0x7f: {  	v11 =	vmin.u32 v11, $0xC7  }
0x80: {  	vm5 =	vlt.u32 v10, $0xC8;
	v10 =	vshll.u32 v11, $0x7  }
0x81: {  	v10 =	vor.u32 v4, v10;
	_ =	sdelay $0x4  }
0x82: {  	[tilespmem:v10+s11+$0x0] =	vst.idx.msk vm5, v2  }
0x83: {  	v10 =	vld [tilespmem:$0x30];
	_ =	sdelay $0x4  }
0x84: {  	v10 =	vadd.s32 $0xFFFFFF38, v10  }
0x85: {  	vm6 =	vgt.s32 v10, $0x0  }
0x86: {  	v11 =	vnsel vm6, $0x0, v10  }
0x87: {  	v11 =	vmin.u32 v11, $0xC7  }
0x88: {  	vm7 =	vlt.u32 v10, $0xC8;
	v10 =	vshll.u32 v11, $0x7  }
0x89: {  	v10 =	vor.u32 v5, v10;
	_ =	sdelay $0x4  }
0x8a: {  	[tilespmem:v10+s11+$0x0] =	vst.idx.msk vm7, v2  }
0x8b: {  	v10 =	vld [tilespmem:$0x40];
	_ =	sdelay $0x4  }
0x8c: {  	v10 =	vadd.s32 $0xFFFFFF38, v10  }
0x8d: {  	vm8 =	vgt.s32 v10, $0x0  }
0x8e: {  	v11 =	vnsel vm8, $0x0, v10  }
0x8f: {  	v11 =	vmin.u32 v11, $0xC7  }
0x90: {  	vm9 =	vlt.u32 v10, $0xC8;
	v10 =	vshll.u32 v11, $0x7  }
0x91: {  	v10 =	vor.u32 v6, v10;
	_ =	sdelay $0x4  }
0x92: {  	[tilespmem:v10+s11+$0x0] =	vst.idx.msk vm9, v2  }
0x93: {  	v10 =	vld [tilespmem:$0x50];
	_ =	sdelay $0x4  }
0x94: {  	v10 =	vadd.s32 $0xFFFFFF38, v10  }
0x95: {  	vm10 =	vgt.s32 v10, $0x0  }
0x96: {  	v11 =	vnsel vm10, $0x0, v10  }
0x97: {  	v11 =	vmin.u32 v11, $0xC7  }
0x98: {  	vm11 =	vlt.u32 v10, $0xC8;
	v10 =	vshll.u32 v11, $0x7  }
0x99: {  	v10 =	vor.u32 v7, v10;
	_ =	sdelay $0x4  }
0x9a: {  	[tilespmem:v10+s11+$0x0] =	vst.idx.msk vm11, v2  }
0x9b: {  	v10 =	vld [tilespmem:$0x60];
	_ =	sdelay $0x4  }
0x9c: {  	v10 =	vadd.s32 $0xFFFFFF38, v10  }
0x9d: {  	vm12 =	vgt.s32 v10, $0x0  }
0x9e: {  	v11 =	vnsel vm12, $0x0, v10  }
0x9f: {  	v11 =	vmin.u32 v11, $0xC7  }
0xa0: {  	vm13 =	vlt.u32 v10, $0xC8;
	v10 =	vshll.u32 v11, $0x7  }
0xa1: {  	v10 =	vor.u32 v8, v10;
	_ =	sdelay $0x4  }
0xa2: {  	[tilespmem:v10+s11+$0x0] =	vst.idx.msk vm13, v2  }
0xa3: {  	v10 =	vld [tilespmem:$0x70];
	_ =	sdelay $0x4  }
0xa4: {  	v10 =	vadd.s32 $0xFFFFFF38, v10  }
0xa5: {  	vm14 =	vgt.s32 v10, $0x0  }
0xa6: {  	v11 =	vnsel vm14, $0x0, v10  }
0xa7: {  	v11 =	vmin.u32 v11, $0xC7  }
0xa8: {  	vm15 =	vlt.u32 v10, $0xC8;
	v10 =	vshll.u32 v11, $0x7  }
0xa9: {  	v10 =	vor.u32 v9, v10;
	_ =	sdelay $0x4  }
0xaa: {  	s18 =	simm.s32 $0x0;
	[tilespmem:v10+s11+$0x0] =	vst.idx.msk vm15, v2  }
0xab: {  	[hbm4b:s8+s10] =	stream.strided.scatter [tilespmem:s11], [sflag:$0x2], $0x6400, s11, s10, $0x38;
	[tilespmem:$0xE400] =	vst v63  }
.LBB2_4:
0xac: {  	s19 =	sshll.u32 s18, $0x1  }
0xad: {  	s20 =	sand.u32 $0xFE, s19  }
0xae: {  	s20 =	smul.u32 $0xCD, s20;
	_ =	sdelay $0x1  }
0xaf: {  	_ =	swait.ge [sflag:s15], $0x6400;
	s20 =	sshrl.u32 s20, $0xA  }
0xb0: {  	[sflag:s15] =	ssyncset.done $0x0;
	s22 =	smul.u32 $0x5, s20  }
0xb1: {  	[sflag:s15] =	ssyncadd.s32 $0xFFFF9C00;
	s21 =	sshll.u32 s20, $0x7  }
0xb2: {  	v10 =	vld [tilespmem:s21+$0x0];
	s30 =	ssub.s32 s19, s22  }
0xb3: {  	s20 =	sand.u32 $0xFF, s30  }
0xb4: {  	s20 =	smul.u32 $0xC8, s20;
	_ =	sdelay $0x1  }
0xb5: {  	v11 =	vmov s20  }
0xb6: {  	v12 =	vsub.s32 v10, v11  }
0xb7: {  	vm0 =	vgt.s32 v12, $0x0  }
0xb8: {  	s31 =	sadd.s32 $0xC8, s20;
	v12 =	vnsel vm0, $0x0, v12  }
0xb9: {  	vm6 =	vge.s32 v10, s20;
	vm1 =	vlt.s32 v10, s31;
	v10 =	vmin.u32 v12, $0xC7  }
0xba: {  	vm0 =	vmand vm6, vm1;
	v10 =	vshll.u32 v10, $0x7  }
0xbb: {  	v10 =	vor.u32 v0, v10;
	_ =	sdelay $0x4  }
0xbc: {  	[tilespmem:v10+s14+$0x0] =	vst.idx.msk vm0, v1  }
0xbd: {  	v10 =	vld [tilespmem:s21+$0x10];
	_ =	sdelay $0x4  }
0xbe: {  	v37 =	vsub.s32 v10, v11  }
0xbf: {  	vm7 =	vgt.s32 v37, $0x0  }
0xc0: {  	v12 =	vnsel vm7, $0x0, v37  }
0xc1: {  	vm8 =	vge.s32 v10, s20;
	vm9 =	vlt.s32 v10, s31;
	v10 =	vmin.u32 v12, $0xC7  }
0xc2: {  	vm0 =	vmand vm8, vm9;
	v10 =	vshll.u32 v10, $0x7  }
0xc3: {  	v10 =	vor.u32 v3, v10;
	_ =	sdelay $0x4  }
0xc4: {  	[tilespmem:v10+s14+$0x0] =	vst.idx.msk vm0, v1  }
0xc5: {  	v10 =	vld [tilespmem:s21+$0x20];
	_ =	sdelay $0x4  }
0xc6: {  	v38 =	vsub.s32 v10, v11  }
0xc7: {  	vm10 =	vgt.s32 v38, $0x0  }
0xc8: {  	v12 =	vnsel vm10, $0x0, v38  }
0xc9: {  	vm11 =	vge.s32 v10, s20;
	vm12 =	vlt.s32 v10, s31;
	v10 =	vmin.u32 v12, $0xC7  }
0xca: {  	vm0 =	vmand vm11, vm12;
	v10 =	vshll.u32 v10, $0x7  }
0xcb: {  	v10 =	vor.u32 v4, v10;
	_ =	sdelay $0x4  }
0xcc: {  	[tilespmem:v10+s14+$0x0] =	vst.idx.msk vm0, v1  }
0xcd: {  	v10 =	vld [tilespmem:s21+$0x30];
	_ =	sdelay $0x4  }
0xce: {  	v39 =	vsub.s32 v10, v11  }
0xcf: {  	vm13 =	vgt.s32 v39, $0x0  }
0xd0: {  	v12 =	vnsel vm13, $0x0, v39  }
0xd1: {  	vm14 =	vge.s32 v10, s20;
	vm15 =	vlt.s32 v10, s31;
	v10 =	vmin.u32 v12, $0xC7  }
0xd2: {  	vm0 =	vmand vm14, vm15;
	v10 =	vshll.u32 v10, $0x7  }
0xd3: {  	v10 =	vor.u32 v5, v10;
	_ =	sdelay $0x4  }
0xd4: {  	[tilespmem:v10+s14+$0x0] =	vst.idx.msk vm0, v1  }
0xd5: {  	v10 =	vld [tilespmem:s21+$0x40];
	_ =	sdelay $0x4  }
0xd6: {  	v40 =	vsub.s32 v10, v11  }
0xd7: {  	vm4 =	vgt.s32 v40, $0x0  }
0xd8: {  	v12 =	vnsel vm4, $0x0, v40  }
0xd9: {  	vm5 =	vge.s32 v10, s20;
	vm6 =	vlt.s32 v10, s31;
	v10 =	vmin.u32 v12, $0xC7  }
0xda: {  	vm0 =	vmand vm5, vm6;
	v10 =	vshll.u32 v10, $0x7  }
0xdb: {  	v10 =	vor.u32 v6, v10;
	_ =	sdelay $0x4  }
0xdc: {  	[tilespmem:v10+s14+$0x0] =	vst.idx.msk vm0, v1  }
0xdd: {  	v10 =	vld [tilespmem:s21+$0x50];
	_ =	sdelay $0x4  }
0xde: {  	v41 =	vsub.s32 v10, v11  }
0xdf: {  	vm7 =	vgt.s32 v41, $0x0  }
0xe0: {  	v12 =	vnsel vm7, $0x0, v41  }
0xe1: {  	vm8 =	vge.s32 v10, s20;
	vm9 =	vlt.s32 v10, s31;
	v10 =	vmin.u32 v12, $0xC7  }
0xe2: {  	vm0 =	vmand vm8, vm9;
	v10 =	vshll.u32 v10, $0x7  }
0xe3: {  	v10 =	vor.u32 v7, v10;
	_ =	sdelay $0x4  }
0xe4: {  	[tilespmem:v10+s14+$0x0] =	vst.idx.msk vm0, v1  }
0xe5: {  	v10 =	vld [tilespmem:s21+$0x60];
	_ =	sdelay $0x4  }
0xe6: {  	v42 =	vsub.s32 v10, v11  }
0xe7: {  	vm10 =	vgt.s32 v42, $0x0  }
0xe8: {  	v12 =	vnsel vm10, $0x0, v42  }
0xe9: {  	vm11 =	vge.s32 v10, s20;
	vm12 =	vlt.s32 v10, s31;
	v10 =	vmin.u32 v12, $0xC7  }
0xea: {  	vm0 =	vmand vm11, vm12;
	v10 =	vshll.u32 v10, $0x7  }
0xeb: {  	v10 =	vor.u32 v8, v10;
	_ =	sdelay $0x4  }
0xec: {  	[tilespmem:v10+s14+$0x0] =	vst.idx.msk vm0, v1  }
0xed: {  	v10 =	vld [tilespmem:s21+$0x70];
	_ =	sdelay $0x4  }
0xee: {  	v11 =	vsub.s32 v10, v11  }
0xef: {  	vm13 =	vgt.s32 v11, $0x0  }
0xf0: {  	v11 =	vnsel vm13, $0x0, v11  }
0xf1: {  	vm14 =	vge.s32 v10, s20;
	vm15 =	vlt.s32 v10, s31;
	v10 =	vmin.u32 v11, $0xC7  }
0xf2: {  	s22 =	sadd.s32 $0x2, s19;
	vm0 =	vmand vm14, vm15;
	v10 =	vshll.u32 v10, $0x7  }
0xf3: {  	s24 =	sand.u32 $0xFE, s22;
	v10 =	vor.u32 v9, v10  }
0xf4: {  	s20 =	smul.u32 $0xCD, s24;
	_ =	sdelay $0x1  }
0xf5: {  	s20 =	sshrl.u32 s20, $0xA  }
0xf6: {  	s25 =	smul.u32 $0x5, s20  }
0xf7: {  	s23 =	sshll.u32 s20, $0x7;
	[tilespmem:v10+s14+$0x0] =	vst.idx.msk vm0, v1  }
0xf8: {  	s21 =	ssub.s32 s22, s25;
	v10 =	vld [tilespmem:s23+$0x0]  }
0xf9: {  	s21 =	sand.u32 $0xFF, s21  }
0xfa: {  	s26 =	smul.u32 $0xC8, s21;
	_ =	sdelay $0x1  }
0xfb: {  	v11 =	vmov s26  }
0xfc: {  	v43 =	vsub.s32 v10, v11  }
0xfd: {  	vm4 =	vgt.s32 v43, $0x0  }
0xfe: {  	s24 =	sadd.s32 $0xC8, s26;
	v12 =	vnsel vm4, $0x0, v43  }
0xff: {  	vm5 =	vge.s32 v10, s26;
	vm6 =	vlt.s32 v10, s24;
	v10 =	vmin.u32 v12, $0xC7  }
0x100: {  	vm0 =	vmand vm5, vm6;
	v10 =	vshll.u32 v10, $0x7  }
0x101: {  	v10 =	vor.u32 v0, v10;
	_ =	sdelay $0x4  }
0x102: {  	[tilespmem:v10+s14+$0x0] =	vst.idx.msk vm0, v2  }
0x103: {  	v10 =	vld [tilespmem:s23+$0x10];
	_ =	sdelay $0x4  }
0x104: {  	v44 =	vsub.s32 v10, v11  }
0x105: {  	vm7 =	vgt.s32 v44, $0x0  }
0x106: {  	v12 =	vnsel vm7, $0x0, v44  }
0x107: {  	vm8 =	vge.s32 v10, s26;
	vm9 =	vlt.s32 v10, s24;
	v10 =	vmin.u32 v12, $0xC7  }
0x108: {  	vm0 =	vmand vm8, vm9;
	v10 =	vshll.u32 v10, $0x7  }
0x109: {  	v10 =	vor.u32 v3, v10;
	_ =	sdelay $0x4  }
0x10a: {  	[tilespmem:v10+s14+$0x0] =	vst.idx.msk vm0, v2  }
0x10b: {  	v10 =	vld [tilespmem:s23+$0x20];
	_ =	sdelay $0x4  }
0x10c: {  	v45 =	vsub.s32 v10, v11  }
0x10d: {  	vm10 =	vgt.s32 v45, $0x0  }
0x10e: {  	v12 =	vnsel vm10, $0x0, v45  }
0x10f: {  	vm11 =	vge.s32 v10, s26;
	vm12 =	vlt.s32 v10, s24;
	v10 =	vmin.u32 v12, $0xC7  }
0x110: {  	vm0 =	vmand vm11, vm12;
	v10 =	vshll.u32 v10, $0x7  }
0x111: {  	v10 =	vor.u32 v4, v10;
	_ =	sdelay $0x4  }
0x112: {  	[tilespmem:v10+s14+$0x0] =	vst.idx.msk vm0, v2  }
0x113: {  	v10 =	vld [tilespmem:s23+$0x30];
	_ =	sdelay $0x4  }
0x114: {  	v46 =	vsub.s32 v10, v11  }
0x115: {  	vm13 =	vgt.s32 v46, $0x0  }
0x116: {  	v12 =	vnsel vm13, $0x0, v46  }
0x117: {  	vm14 =	vge.s32 v10, s26;
	vm15 =	vlt.s32 v10, s24;
	v10 =	vmin.u32 v12, $0xC7  }
0x118: {  	vm0 =	vmand vm14, vm15;
	v10 =	vshll.u32 v10, $0x7  }
0x119: {  	v10 =	vor.u32 v5, v10;
	_ =	sdelay $0x4  }
0x11a: {  	[tilespmem:v10+s14+$0x0] =	vst.idx.msk vm0, v2  }
0x11b: {  	v10 =	vld [tilespmem:s23+$0x40];
	_ =	sdelay $0x4  }
0x11c: {  	v47 =	vsub.s32 v10, v11  }
0x11d: {  	vm4 =	vgt.s32 v47, $0x0  }
0x11e: {  	v12 =	vnsel vm4, $0x0, v47  }
0x11f: {  	vm5 =	vge.s32 v10, s26;
	vm6 =	vlt.s32 v10, s24;
	v10 =	vmin.u32 v12, $0xC7  }
0x120: {  	vm0 =	vmand vm5, vm6;
	v10 =	vshll.u32 v10, $0x7  }
0x121: {  	v10 =	vor.u32 v6, v10;
	_ =	sdelay $0x4  }
0x122: {  	[tilespmem:v10+s14+$0x0] =	vst.idx.msk vm0, v2  }
0x123: {  	v10 =	vld [tilespmem:s23+$0x50];
	_ =	sdelay $0x4  }
0x124: {  	v48 =	vsub.s32 v10, v11  }
0x125: {  	vm7 =	vgt.s32 v48, $0x0  }
0x126: {  	v12 =	vnsel vm7, $0x0, v48  }
0x127: {  	vm8 =	vge.s32 v10, s26;
	vm9 =	vlt.s32 v10, s24;
	v10 =	vmin.u32 v12, $0xC7  }
0x128: {  	vm0 =	vmand vm8, vm9;
	v10 =	vshll.u32 v10, $0x7  }
0x129: {  	v10 =	vor.u32 v7, v10;
	_ =	sdelay $0x4  }
0x12a: {  	[tilespmem:v10+s14+$0x0] =	vst.idx.msk vm0, v2  }
0x12b: {  	v10 =	vld [tilespmem:s23+$0x60];
	_ =	sdelay $0x4  }
0x12c: {  	v49 =	vsub.s32 v10, v11  }
0x12d: {  	vm10 =	vgt.s32 v49, $0x0  }
0x12e: {  	v12 =	vnsel vm10, $0x0, v49  }
0x12f: {  	vm11 =	vge.s32 v10, s26;
	vm12 =	vlt.s32 v10, s24;
	v10 =	vmin.u32 v12, $0xC7  }
0x130: {  	vm0 =	vmand vm11, vm12;
	v10 =	vshll.u32 v10, $0x7  }
0x131: {  	v10 =	vor.u32 v8, v10;
	_ =	sdelay $0x4  }
0x132: {  	[tilespmem:v10+s14+$0x0] =	vst.idx.msk vm0, v2  }
0x133: {  	v10 =	vld [tilespmem:s23+$0x70];
	_ =	sdelay $0x4  }
0x134: {  	v11 =	vsub.s32 v10, v11  }
0x135: {  	vm13 =	vgt.s32 v11, $0x0  }
0x136: {  	v11 =	vnsel vm13, $0x0, v11  }
0x137: {  	vm14 =	vge.s32 v10, s26;
	vm15 =	vlt.s32 v10, s24;
	v10 =	vmin.u32 v11, $0xC7  }
0x138: {  	s20 =	smul.u32 $0x3E8000, s20;
	vm0 =	vmand vm14, vm15;
	v10 =	vshll.u32 v10, $0x7  }
0x139: {  	s21 =	smul.u32 $0xC8000, s21;
	v10 =	vor.u32 v9, v10;
	_ =	sdelay $0x1  }
0x13a: {  	s20 =	sadd.s32 s21, s20  }
0x13b: {  	s28 =	sshllo.u32 s18, $0x1;
	s20 =	sor.u32 s4, s20  }
0x13c: {  	s29 =	sand.u32 $0xFF, s28;
	s20 =	sshrl.u32 s20, $0x3  }
0x13d: {  	s21 =	smul.u32 $0xCD, s29;
	s20 =	sadd.s32 s2, s20;
	[tilespmem:v10+s14+$0x0] =	vst.idx.msk vm0, v2  }
0x13e: {  	[hbm4b:s20+s10] =	stream.strided.scatter [tilespmem:s14], [sflag:$0x1], $0x6400, s11, s10, $0x38;
	[tilespmem:$0xE400] =	vst v63  }
0x13f: {  	s30 =	sshrl.u32 s21, $0xA;
	_ =	swait.ge [sflag:s16], $0x6400  }
0x140: {  	s31 =	smul.u32 $0x5, s30;
	[sflag:s16] =	ssyncset.done $0x0  }
0x141: {  	s21 =	sshll.u32 s30, $0x7;
	[sflag:s16] =	ssyncadd.s32 $0xFFFF9C00  }
0x142: {  	s24 =	ssub.s32 s28, s31;
	v10 =	vld [tilespmem:s21+$0x0]  }
0x143: {  	s20 =	sand.u32 $0xFF, s24  }
0x144: {  	s20 =	smul.u32 $0xC8, s20;
	_ =	sdelay $0x1  }
0x145: {  	v11 =	vmov s20  }
0x146: {  	v50 =	vsub.s32 v10, v11  }
0x147: {  	vm4 =	vgt.s32 v50, $0x0  }
0x148: {  	s25 =	sadd.s32 $0xC8, s20;
	v12 =	vnsel vm4, $0x0, v50  }
0x149: {  	vm5 =	vge.s32 v10, s20;
	vm6 =	vlt.s32 v10, s25;
	v10 =	vmin.u32 v12, $0xC7  }
0x14a: {  	vm0 =	vmand vm5, vm6;
	v10 =	vshll.u32 v10, $0x7  }
0x14b: {  	v10 =	vor.u32 v0, v10;
	_ =	sdelay $0x4  }
0x14c: {  	[tilespmem:v10+s11+$0x0] =	vst.idx.msk vm0, v1  }
0x14d: {  	v10 =	vld [tilespmem:s21+$0x10];
	_ =	sdelay $0x4  }
0x14e: {  	v51 =	vsub.s32 v10, v11  }
0x14f: {  	vm7 =	vgt.s32 v51, $0x0  }
0x150: {  	v12 =	vnsel vm7, $0x0, v51  }
0x151: {  	vm8 =	vge.s32 v10, s20;
	vm9 =	vlt.s32 v10, s25;
	v10 =	vmin.u32 v12, $0xC7  }
0x152: {  	vm0 =	vmand vm8, vm9;
	v10 =	vshll.u32 v10, $0x7  }
0x153: {  	v10 =	vor.u32 v3, v10;
	_ =	sdelay $0x4  }
0x154: {  	[tilespmem:v10+s11+$0x0] =	vst.idx.msk vm0, v1  }
0x155: {  	v10 =	vld [tilespmem:s21+$0x20];
	_ =	sdelay $0x4  }
0x156: {  	v52 =	vsub.s32 v10, v11  }
0x157: {  	vm10 =	vgt.s32 v52, $0x0  }
0x158: {  	v12 =	vnsel vm10, $0x0, v52  }
0x159: {  	vm11 =	vge.s32 v10, s20;
	vm12 =	vlt.s32 v10, s25;
	v10 =	vmin.u32 v12, $0xC7  }
0x15a: {  	vm0 =	vmand vm11, vm12;
	v10 =	vshll.u32 v10, $0x7  }
0x15b: {  	v10 =	vor.u32 v4, v10;
	_ =	sdelay $0x4  }
0x15c: {  	[tilespmem:v10+s11+$0x0] =	vst.idx.msk vm0, v1  }
0x15d: {  	v10 =	vld [tilespmem:s21+$0x30];
	_ =	sdelay $0x4  }
0x15e: {  	v53 =	vsub.s32 v10, v11  }
0x15f: {  	vm13 =	vgt.s32 v53, $0x0  }
0x160: {  	v12 =	vnsel vm13, $0x0, v53  }
0x161: {  	vm14 =	vge.s32 v10, s20;
	vm15 =	vlt.s32 v10, s25;
	v10 =	vmin.u32 v12, $0xC7  }
0x162: {  	vm0 =	vmand vm14, vm15;
	v10 =	vshll.u32 v10, $0x7  }
0x163: {  	v10 =	vor.u32 v5, v10;
	_ =	sdelay $0x4  }
0x164: {  	[tilespmem:v10+s11+$0x0] =	vst.idx.msk vm0, v1  }
0x165: {  	v10 =	vld [tilespmem:s21+$0x40];
	_ =	sdelay $0x4  }
0x166: {  	v54 =	vsub.s32 v10, v11  }
0x167: {  	vm4 =	vgt.s32 v54, $0x0  }
0x168: {  	v12 =	vnsel vm4, $0x0, v54  }
0x169: {  	vm5 =	vge.s32 v10, s20;
	vm6 =	vlt.s32 v10, s25;
	v10 =	vmin.u32 v12, $0xC7  }
0x16a: {  	vm0 =	vmand vm5, vm6;
	v10 =	vshll.u32 v10, $0x7  }
0x16b: {  	v10 =	vor.u32 v6, v10;
	_ =	sdelay $0x4  }
0x16c: {  	[tilespmem:v10+s11+$0x0] =	vst.idx.msk vm0, v1  }
0x16d: {  	v10 =	vld [tilespmem:s21+$0x50];
	_ =	sdelay $0x4  }
0x16e: {  	v55 =	vsub.s32 v10, v11  }
0x16f: {  	vm7 =	vgt.s32 v55, $0x0  }
0x170: {  	v12 =	vnsel vm7, $0x0, v55  }
0x171: {  	vm8 =	vge.s32 v10, s20;
	vm9 =	vlt.s32 v10, s25;
	v10 =	vmin.u32 v12, $0xC7  }
0x172: {  	vm0 =	vmand vm8, vm9;
	v10 =	vshll.u32 v10, $0x7  }
0x173: {  	v10 =	vor.u32 v7, v10;
	_ =	sdelay $0x4  }
0x174: {  	[tilespmem:v10+s11+$0x0] =	vst.idx.msk vm0, v1  }
0x175: {  	v10 =	vld [tilespmem:s21+$0x60];
	_ =	sdelay $0x4  }
0x176: {  	v56 =	vsub.s32 v10, v11  }
0x177: {  	vm10 =	vgt.s32 v56, $0x0  }
0x178: {  	v12 =	vnsel vm10, $0x0, v56  }
0x179: {  	vm11 =	vge.s32 v10, s20;
	vm12 =	vlt.s32 v10, s25;
	v10 =	vmin.u32 v12, $0xC7  }
0x17a: {  	vm0 =	vmand vm11, vm12;
	v10 =	vshll.u32 v10, $0x7  }
0x17b: {  	v10 =	vor.u32 v8, v10;
	_ =	sdelay $0x4  }
0x17c: {  	[tilespmem:v10+s11+$0x0] =	vst.idx.msk vm0, v1  }
0x17d: {  	v10 =	vld [tilespmem:s21+$0x70];
	_ =	sdelay $0x4  }
0x17e: {  	v11 =	vsub.s32 v10, v11  }
0x17f: {  	vm13 =	vgt.s32 v11, $0x0  }
0x180: {  	v11 =	vnsel vm13, $0x0, v11  }
0x181: {  	vm14 =	vge.s32 v10, s20;
	vm15 =	vlt.s32 v10, s25;
	v10 =	vmin.u32 v11, $0xC7  }
0x182: {  	s26 =	sadd.s32 $0x3, s19;
	vm0 =	vmand vm14, vm15;
	v10 =	vshll.u32 v10, $0x7  }
0x183: {  	s19 =	sand.u32 $0xFF, s26;
	v10 =	vor.u32 v9, v10  }
0x184: {  	s19 =	smul.u32 $0xCD, s19;
	_ =	sdelay $0x1  }
0x185: {  	s19 =	sshrl.u32 s19, $0xA  }
0x186: {  	s28 =	smul.u32 $0x5, s19  }
0x187: {  	s29 =	sshll.u32 s19, $0x7;
	[tilespmem:v10+s11+$0x0] =	vst.idx.msk vm0, v1  }
0x188: {  	s20 =	ssub.s32 s26, s28;
	v10 =	vld [tilespmem:s29+$0x0]  }
0x189: {  	s20 =	sand.u32 $0xFF, s20  }
0x18a: {  	s30 =	smul.u32 $0xC8, s20;
	_ =	sdelay $0x1  }
0x18b: {  	v11 =	vmov s30  }
0x18c: {  	v57 =	vsub.s32 v10, v11  }
0x18d: {  	vm4 =	vgt.s32 v57, $0x0  }
0x18e: {  	s31 =	sadd.s32 $0xC8, s30;
	v12 =	vnsel vm4, $0x0, v57  }
0x18f: {  	vm5 =	vge.s32 v10, s30;
	vm6 =	vlt.s32 v10, s31;
	v10 =	vmin.u32 v12, $0xC7  }
0x190: {  	vm0 =	vmand vm5, vm6;
	v10 =	vshll.u32 v10, $0x7  }
0x191: {  	v10 =	vor.u32 v0, v10;
	_ =	sdelay $0x4  }
0x192: {  	[tilespmem:v10+s11+$0x0] =	vst.idx.msk vm0, v2  }
0x193: {  	v10 =	vld [tilespmem:s29+$0x10];
	_ =	sdelay $0x4  }
0x194: {  	v58 =	vsub.s32 v10, v11  }
0x195: {  	vm7 =	vgt.s32 v58, $0x0  }
0x196: {  	v12 =	vnsel vm7, $0x0, v58  }
0x197: {  	vm8 =	vge.s32 v10, s30;
	vm9 =	vlt.s32 v10, s31;
	v10 =	vmin.u32 v12, $0xC7  }
0x198: {  	vm0 =	vmand vm8, vm9;
	v10 =	vshll.u32 v10, $0x7  }
0x199: {  	v10 =	vor.u32 v3, v10;
	_ =	sdelay $0x4  }
0x19a: {  	[tilespmem:v10+s11+$0x0] =	vst.idx.msk vm0, v2  }
0x19b: {  	v10 =	vld [tilespmem:s29+$0x20];
	_ =	sdelay $0x4  }
0x19c: {  	v59 =	vsub.s32 v10, v11  }
0x19d: {  	vm10 =	vgt.s32 v59, $0x0  }
0x19e: {  	v12 =	vnsel vm10, $0x0, v59  }
0x19f: {  	vm11 =	vge.s32 v10, s30;
	vm12 =	vlt.s32 v10, s31;
	v10 =	vmin.u32 v12, $0xC7  }
0x1a0: {  	vm0 =	vmand vm11, vm12;
	v10 =	vshll.u32 v10, $0x7  }
0x1a1: {  	v10 =	vor.u32 v4, v10;
	_ =	sdelay $0x4  }
0x1a2: {  	[tilespmem:v10+s11+$0x0] =	vst.idx.msk vm0, v2  }
0x1a3: {  	v10 =	vld [tilespmem:s29+$0x30];
	_ =	sdelay $0x4  }
0x1a4: {  	v60 =	vsub.s32 v10, v11  }
0x1a5: {  	vm13 =	vgt.s32 v60, $0x0  }
0x1a6: {  	v12 =	vnsel vm13, $0x0, v60  }
0x1a7: {  	vm14 =	vge.s32 v10, s30;
	vm15 =	vlt.s32 v10, s31;
	v10 =	vmin.u32 v12, $0xC7  }
0x1a8: {  	vm0 =	vmand vm14, vm15;
	v10 =	vshll.u32 v10, $0x7  }
0x1a9: {  	v10 =	vor.u32 v5, v10;
	_ =	sdelay $0x4  }
0x1aa: {  	[tilespmem:v10+s11+$0x0] =	vst.idx.msk vm0, v2  }
0x1ab: {  	v10 =	vld [tilespmem:s29+$0x40];
	_ =	sdelay $0x4  }
0x1ac: {  	v61 =	vsub.s32 v10, v11  }
0x1ad: {  	vm4 =	vgt.s32 v61, $0x0  }
0x1ae: {  	v12 =	vnsel vm4, $0x0, v61  }
0x1af: {  	vm5 =	vge.s32 v10, s30;
	vm6 =	vlt.s32 v10, s31;
	v10 =	vmin.u32 v12, $0xC7  }
0x1b0: {  	vm0 =	vmand vm5, vm6;
	v10 =	vshll.u32 v10, $0x7  }
0x1b1: {  	v10 =	vor.u32 v6, v10;
	_ =	sdelay $0x4  }
0x1b2: {  	[tilespmem:v10+s11+$0x0] =	vst.idx.msk vm0, v2  }
0x1b3: {  	v10 =	vld [tilespmem:s29+$0x50];
	_ =	sdelay $0x4  }
0x1b4: {  	v62 =	vsub.s32 v10, v11  }
0x1b5: {  	vm7 =	vgt.s32 v62, $0x0  }
0x1b6: {  	v12 =	vnsel vm7, $0x0, v62  }
0x1b7: {  	vm8 =	vge.s32 v10, s30;
	vm9 =	vlt.s32 v10, s31;
	v10 =	vmin.u32 v12, $0xC7  }
0x1b8: {  	vm0 =	vmand vm8, vm9;
	v10 =	vshll.u32 v10, $0x7  }
0x1b9: {  	v10 =	vor.u32 v7, v10;
	_ =	sdelay $0x4  }
0x1ba: {  	[tilespmem:v10+s11+$0x0] =	vst.idx.msk vm0, v2  }
0x1bb: {  	v10 =	vld [tilespmem:s29+$0x60];
	_ =	sdelay $0x4  }
0x1bc: {  	v63 =	vsub.s32 v10, v11  }
0x1bd: {  	vm10 =	vgt.s32 v63, $0x0  }
0x1be: {  	v12 =	vnsel vm10, $0x0, v63  }
0x1bf: {  	vm11 =	vge.s32 v10, s30;
	vm12 =	vlt.s32 v10, s31;
	v10 =	vmin.u32 v12, $0xC7  }
0x1c0: {  	vm0 =	vmand vm11, vm12;
	v10 =	vshll.u32 v10, $0x7  }
0x1c1: {  	v10 =	vor.u32 v8, v10;
	_ =	sdelay $0x4  }
0x1c2: {  	[tilespmem:v10+s11+$0x0] =	vst.idx.msk vm0, v2  }
0x1c3: {  	v10 =	vld [tilespmem:s29+$0x70];
	_ =	sdelay $0x4  }
0x1c4: {  	v11 =	vsub.s32 v10, v11  }
0x1c5: {  	vm13 =	vgt.s32 v11, $0x0  }
0x1c6: {  	v11 =	vnsel vm13, $0x0, v11  }
0x1c7: {  	vm14 =	vge.s32 v10, s30;
	vm15 =	vlt.s32 v10, s31;
	v10 =	vmin.u32 v11, $0xC7  }
0x1c8: {  	s19 =	smul.u32 $0x3E8000, s19;
	vm0 =	vmand vm14, vm15;
	v10 =	vshll.u32 v10, $0x7  }
0x1c9: {  	s20 =	smul.u32 $0xC8000, s20;
	v10 =	vor.u32 v9, v10  }
0x1ca: {  	p0 =	sne.s32 s18, $0x7B  }
.Ltmp1:
0x1cb: {  	s19 =	sadd.s32 s20, s19;
	(pc) =	sbr.rel @p0 .LBB2_4-.Ltmp1, $4  }
0x1cc: {  	s19 =	sor.u32 s4, s19  }
0x1cd: {  	s19 =	sshrl.u32 s19, $0x3  }
0x1ce: {  	s18 =	sadd.s32 $0x1, s18;
	s19 =	sadd.s32 s2, s19;
	[tilespmem:v10+s11+$0x0] =	vst.idx.msk vm0, v2  }
0x1cf: {  	[hbm4b:s19+s10] =	stream.strided.scatter [tilespmem:s11], [sflag:$0x2], $0x6400, s11, s10, $0x38;
	[tilespmem:$0xE400] =	vst v63  }
0x1d0: {  	s17 =	sadd.s32 $0x1, s17  }
0x1d1: {  	_ =	swait.ge [sflag:s15], $0x6400;
	p0 =	sne.s32 s17, s9  }
.Ltmp2:
0x1d2: {  	[sflag:s15] =	ssyncset.done $0x0;
	(pc) =	sbr.rel @p0 .LBB2_1-.Ltmp2, $4  }
0x1d3: {  	[sflag:s15] =	ssyncadd.s32 $0xFFFF9C00  }
0x1d4: {  	_ =	swait.ge [sflag:s16], $0x6400  }
0x1d5: {  	[sflag:s16] =	ssyncset.done $0x0  }
0x1d6: {  	[sflag:s16] =	ssyncadd.s32 $0xFFFF9C00  }
0x1d7: {  	_ =	sfence.sel $0x180000  }
0x1d8: {  	[bflag:$0x0] =	sbarrier.arrive $0xFFFF  }
0x1d9: {  	p0 =	sne.s32 s1, $0x0;
	_ =	strace $0x90000047  }
0x1da: {  	s0 =	sadd.s32 @!p0 $0x100000, s0;
	[bflag:$0x2] =	sbarrier.arrive $0xFFFF  }
0x1db: {  	[sflag:s0] =	ssyncadd.tile.s32 @!p0 $0x1;
	_ =	shalt  }
.Lfunc_end2:
_tile_overlayer_lowered:
.L_overlay_start_2:
0x1dc: {  	(tag) =	ssettag $0x2  }
0x1dd: {  	s0 =	rddreg [dreg:$0x0];
	s2 =	stileid.u32  }
0x1de: {  	s1 =	rddreg [dreg:$0x1];
	p0 =	sne.s32 s2, $0x0  }
0x1df: {  	s3 =	rddreg [dreg:$0x2];
	[bflag:$0x3] =	sbarrier.arrive $0xFFFF;
	s2 =	simm.s32 @!p0 $0x1C03  }
0x1e0: {  	[timem:s3], [sflag:s2] =	dma.local @!p0 [hbm:s0], s1  }
0x1e1: {  	s0 =	simm.s32 @!p0 $0x3  }
0x1e2: {  	_ =	swait.ge @!p0 [sflag:s0], s1  }
0x1e3: {  	s1 =	ssub.s32 @!p0 $0x0, s1;
	[sflag:s0] =	ssyncset.done @!p0 $0x0  }
0x1e4: {  	[sflag:s0] =	ssyncadd.s32 @!p0 s1  }
0x1e5: {  	[bflag:$0x3] =	sbarrier.arrive $0xFFFF  }
0x1e6: {  	_ =	shalt  }

</sc_bundles>
